<compile_context>
chip_gen: v7x
topology: tpu7x:2x2x1
jax: 0.10.2.dev20260603
libtpu: 0.0.44.dev20260713+nightly
codegen_flags: <defaults>
</compile_context>

<pallas_src>
import functools

import jax
import jax.numpy as jnp
import numpy as np
from jax import lax
from jax.experimental import pallas as pl
from jax.experimental.pallas import tpu as pltpu
from jax.experimental.pallas import tpu_sc as plsc


def _radial_kernel(co_s, mu_s, sc_s, dA, dB, he_o, *, K):
    k = pl.program_id(0)
    co, mu, sc = co_s[k], mu_s[k], sc_s[k]
    for h, dref in ((0, dA), (1, dB)):
        d = dref[...]
        g = jnp.exp(-sc * (d - mu) ** 2)
        c = 0.5 * (jnp.cos(np.float32(np.pi) * d / co) + 1.0)
        he_o[h, 0] = g * jnp.where(d < co, c, jnp.float32(0.0))


def _pack_kernel(ftu_s, feat_r, p_o, *, T):
    f = feat_r[...]
    tt = jnp.zeros(f.shape, jnp.int32)
    hasm = jnp.zeros(f.shape, jnp.bool_)
    for t in range(T):
        m = f == ftu_s[t]
        tt = jnp.where(m, jnp.int32(t), tt)
        hasm = hasm | m
    w = jnp.where(hasm, f, jnp.float32(0.0)).astype(jnp.int32)
    p_o[...] = w * T + tt


def _sc_scatter_kernel(he_hbm, srcE_hbm, dstE_hbm, p_hbm, o_hbm,
                       acc, srcb, dstb, peb, rowb, wbuf, vals1, outv1, idxb,
                       sem, sem2,
                       *, NT, KH, T, CH, NCHUNK, NTILE):
    cid = lax.axis_index("c")
    sid = lax.axis_index("s")
    io = lax.iota(jnp.int32, 16)
    io_q = io >> 2
    io_m = io & 3
    zero16 = jnp.zeros((16,), jnp.float32)
    CE = CH * KH
    ZC = 4000
    NZ = (NT * KH) // ZC

    def z1(i, _):
        outv1[pl.ds(i * 16, 16)] = zero16
        return _
    lax.fori_loop(0, CE // 16, z1, None)

    def zcopy(i, _):
        c = sid + i * NTILE
        pltpu.sync_copy(outv1.at[pl.ds(0, ZC)], acc.at[pl.ds(c * ZC, ZC)])
        return _
    lax.fori_loop(0, NZ // NTILE, zcopy, None)
    plsc.subcore_barrier()

    def do_chunk(c):
        eb = c * CH
        pltpu.sync_copy(srcE_hbm.at[pl.ds(eb, CH)], srcb)
        pltpu.sync_copy(dstE_hbm.at[pl.ds(eb, CH)], dstb)
        descs = [pltpu.async_copy(p_hbm.at[srcb.at[pl.ds(j * 128, 128)]],
                                  peb.at[pl.ds(j * 128, 128)], sem)
                 for j in range(CH // 128)]
        pltpu.sync_copy(he_hbm.at[cid, pl.ds(c * CE, CE)], vals1)
        for dsc in descs:
            dsc.wait()

        def idx_loop(i, _):
            pe16 = peb[pl.ds(i * 16, 16)]
            d16 = dstb[pl.ds(i * 16, 16)]
            rowb[pl.ds(i * 16, 16)] = (d16 * T + (pe16 & (T - 1))) * KH
            wbuf[pl.ds(i * 16, 16)] = (pe16 >> 3).astype(jnp.float32)
            return _
        lax.fori_loop(0, CH // 16, idx_loop, None)

        def val_loop(u, _):
            blk = 16 * (u >> 2)
            w16 = wbuf[pl.ds(blk, 16)]
            r16 = rowb[pl.ds(blk, 16)]
            perm = (u & 3) * 4 + io_q
            wl = w16.at[perm].get(mode="promise_in_bounds")
            rl = r16.at[perm].get(mode="promise_in_bounds")
            v16 = vals1[pl.ds(u * 16, 16)]
            outv1[pl.ds(u * 16, 16)] = wl * v16
            idxb[u >> 3, pl.ds((u & 7) * 16, 16)] = rl + io_m
            return _
        lax.fori_loop(0, CE // 16, val_loop, None)

        sdescs = [pltpu.async_copy(outv1.at[pl.ds(j * 128, 128)],
                                   acc.at[idxb.at[j]], sem2, add=True)
                  for j in range(CE // 128)]
        for dsc in sdescs:
            dsc.wait()

    def chunk_loop(i, _):
        c = sid + i * NTILE

        @pl.when(c < NCHUNK)
        def _():
            do_chunk(c)
        return _
    niter = (NCHUNK + NTILE - 1) // NTILE
    lax.fori_loop(0, niter, chunk_loop, None)

    plsc.subcore_barrier()

    def wcopy(i, _):
        c = sid + i * NTILE
        pltpu.sync_copy(acc.at[pl.ds(c * ZC, ZC)],
                        o_hbm.at[cid, pl.ds(c * ZC, ZC)])
        return _
    lax.fori_loop(0, NZ // NTILE, wcopy, None)


def _bn_stats_kernel(o_ref, s_o, q_o, *, T, KH):
    nb = pl.program_id(1)
    x = o_ref[0]
    s = jnp.sum(x, axis=(0, 1))
    q = jnp.sum(x * x, axis=(0, 1))

    @pl.when(nb == 0)
    def _():
        s_o[0, 0] = s
        q_o[0, 0] = q

    @pl.when(nb != 0)
    def _():
        s_o[0, 0] += s
        q_o[0, 0] += q


def _bn_apply_kernel(o_ref, sc_ref, sh_ref, out_o, *, T, KH):
    r = out_o.shape[0]
    xa = o_ref[0].reshape(r, T, KH)
    xb = o_ref[1].reshape(r, T, KH)
    x = jnp.concatenate([xa, xb], axis=2)
    out_o[...] = x * sc_ref[...] + sh_ref[...]


def kernel(feat, distances, edge_index, interaction_cutoffs, rbf_kernel_means,
           rbf_kernel_scaling, features_to_use, bn_weight, bn_bias):
    N = feat.shape[0]
    E = distances.shape[0]
    K = rbf_kernel_means.shape[0]
    T = features_to_use.shape[0]
    KH = K // 2
    NT = N * T

    f32 = jnp.float32
    i32 = jnp.int32

    d = distances.reshape(E)
    d3 = d.reshape(E // K, 2, KH)
    DH = E // 2
    dA = d3[:, 0, :].reshape(DH // 128, 128)
    dB = d3[:, 1, :].reshape(DH // 128, 128)
    NPAD = ((N + 127) // 128) * 128
    feat_r = jnp.pad(feat.reshape(N), (0, NPAD - N)).reshape(NPAD // 128, 128)

    smem_spec = pl.BlockSpec(memory_space=pltpu.SMEM)

    he_out = pl.pallas_call(
        functools.partial(_radial_kernel, K=K),
        grid=(K,),
        in_specs=[smem_spec, smem_spec, smem_spec,
                  pl.BlockSpec(dA.shape, lambda k: (0, 0)),
                  pl.BlockSpec(dB.shape, lambda k: (0, 0))],
        out_specs=pl.BlockSpec((2, 1) + dA.shape, lambda k: (0, k, 0, 0)),
        out_shape=jax.ShapeDtypeStruct((2, K) + dA.shape, f32),
    )(interaction_cutoffs, rbf_kernel_means, rbf_kernel_scaling, dA, dB)

    p_out = pl.pallas_call(
        functools.partial(_pack_kernel, T=T),
        in_specs=[smem_spec, pl.BlockSpec(feat_r.shape, lambda: (0, 0))],
        out_specs=pl.BlockSpec(feat_r.shape, lambda: (0, 0)),
        out_shape=jax.ShapeDtypeStruct(feat_r.shape, i32),
    )(features_to_use, feat_r)

    he_s = he_out.reshape(2, E * KH)
    p_flat = p_out.reshape(NPAD)
    srcE = edge_index[0]
    dstE = edge_index[1]

    CH = 1280
    NCHUNK = E // CH
    NTILE = 16
    CE = CH * KH
    mesh = plsc.VectorSubcoreMesh(core_axis_name="c", subcore_axis_name="s")
    sck = pl.kernel(
        functools.partial(_sc_scatter_kernel, NT=NT, KH=KH, T=T, CH=CH,
                          NCHUNK=NCHUNK, NTILE=NTILE),
        out_type=jax.ShapeDtypeStruct((2, NT * KH), f32),
        mesh=mesh,
        compiler_params=pltpu.CompilerParams(use_tc_tiling_on_sc=False),
        scratch_types=[
            pltpu.VMEM_SHARED((NT * KH,), f32),
            pltpu.VMEM((CH,), i32),
            pltpu.VMEM((CH,), i32),
            pltpu.VMEM((CH,), i32),
            pltpu.VMEM((CH,), i32),
            pltpu.VMEM((CH,), f32),
            pltpu.VMEM((CE,), f32),
            pltpu.VMEM((CE,), f32),
            pltpu.VMEM((CE // 128, 128), i32),
            pltpu.SemaphoreType.DMA,
            pltpu.SemaphoreType.DMA,
        ],
    )
    o_flat = sck(he_s, srcE, dstE, p_flat)
    o4 = o_flat.reshape(2, (NT * KH) // 512, 4, 128)

    NB = 25
    BR = o4.shape[1] // NB
    s_q = pl.pallas_call(
        functools.partial(_bn_stats_kernel, T=T, KH=KH),
        grid=(2, NB),
        in_specs=[pl.BlockSpec((1, BR, 4, 128), lambda h, i: (h, i, 0, 0))],
        out_specs=[pl.BlockSpec((1, 1, 128), lambda h, i: (h, 0, 0)),
                   pl.BlockSpec((1, 1, 128), lambda h, i: (h, 0, 0))],
        out_shape=[jax.ShapeDtypeStruct((2, 1, 128), f32),
                   jax.ShapeDtypeStruct((2, 1, 128), f32)],
    )(o4)
    S, Q = s_q
    S4 = S.reshape(2, 4, T, KH).sum(axis=(1, 3))
    Q4 = Q.reshape(2, 4, T, KH).sum(axis=(1, 3))

    cnt = f32(N * K)
    mean = (S4[0] + S4[1]) / cnt
    ex2 = (Q4[0] + Q4[1]) / cnt
    var = ex2 - mean * mean
    scale = bn_weight / jnp.sqrt(var + 1e-5)
    shift = bn_bias - mean * scale
    scale88 = jnp.broadcast_to(scale.reshape(1, T, 1), (1, T, K))
    shift88 = jnp.broadcast_to(shift.reshape(1, T, 1), (1, T, K))

    NB2 = 50
    R = N // NB2
    o_halves = o_flat.reshape(2, NT, KH)
    out = pl.pallas_call(
        functools.partial(_bn_apply_kernel, T=T, KH=KH),
        grid=(NB2,),
        in_specs=[pl.BlockSpec((2, R * T, KH), lambda i: (0, i, 0)),
                  pl.BlockSpec((1, T, K), lambda i: (0, 0, 0)),
                  pl.BlockSpec((1, T, K), lambda i: (0, 0, 0))],
        out_specs=pl.BlockSpec((R, T, K), lambda i: (i, 0, 0)),
        out_shape=jax.ShapeDtypeStruct((N, T, K), f32),
    )(o_halves, scale88, shift88)
    return out

# --- scband reference (transcript-rebuilt; emitter-appended) ---
"""Pipeline reference for scband-atomic-conv-70111046140541 (READ-ONLY COPY).

The authoritative reference and input builder live on the scoring server;
editing this copy changes nothing except your own understanding.
"""

import jax, jax.numpy as jnp
import numpy as np

N = 50000
E = 800000
K = 8
T = 8


def setup_inputs(seed: int = 0) -> dict:
    key = jax.random.key(seed)
    k1, k2, k3 = jax.random.split(key, 3)
    # node features: atomic numbers as floats in [0, 18)
    feat = jax.random.randint(k1, (N, 1), 0, 18).astype(jnp.float32)
    # edge distances in [0, 12)
    distances = jax.random.uniform(k2, (E, 1), dtype=jnp.float32) * 12.0
    # graph connectivity: row 0 = src, row 1 = dst
    edge_index = jax.random.randint(k3, (2, E), 0, N, dtype=jnp.int32)
    # radial_params columns: [interaction_cutoff, rbf_mean, rbf_scaling]
    interaction_cutoffs = jnp.full((K,), 12.0, dtype=jnp.float32)
    rbf_kernel_means = jnp.array([0.0, 1.5, 3.0, 4.5, 6.0, 7.5, 9.0, 10.5], dtype=jnp.float32)
    rbf_kernel_scaling = jnp.full((K,), 4.0, dtype=jnp.float32)
    features_to_use = jnp.array([6.0, 7.0, 8.0, 9.0, 11.0, 12.0, 15.0, 16.0], dtype=jnp.float32)
    # BatchNorm1d(T) params
    bn_weight = jnp.ones((T,), dtype=jnp.float32)
    bn_bias = jnp.zeros((T,), dtype=jnp.float32)
    return {
        "feat": feat,
        "distances": distances,
        "edge_index": edge_index,
        "interaction_cutoffs": interaction_cutoffs,
        "rbf_kernel_means": rbf_kernel_means,
        "rbf_kernel_scaling": rbf_kernel_scaling,
        "features_to_use": features_to_use,
        "bn_weight": bn_weight,
        "bn_bias": bn_bias,
    }


def reference(feat, distances, edge_index, interaction_cutoffs, rbf_kernel_means,
              rbf_kernel_scaling, features_to_use, bn_weight, bn_bias):
    # --- RadialPooling ---
    co = interaction_cutoffs.reshape(-1, 1, 1)
    mu = rbf_kernel_means.reshape(-1, 1, 1)
    sc = rbf_kernel_scaling.reshape(-1, 1, 1)
    scaled = -sc * (distances - mu) ** 2            # (K, E, 1)
    rbf = jnp.exp(scaled)                           # (K, E, 1)
    cosv = 0.5 * (jnp.cos(np.pi * distances / co) + 1.0)
    cutoff_vals = jnp.where(distances < co, cosv, jnp.zeros_like(cosv))
    radial_pooled = rbf * cutoff_vals               # (K, E, 1)
    he = radial_pooled.reshape(E, -1)               # faithful to torch reshape(num_edges, -1)
    # --- feature channel expansion ---
    flat = feat.reshape(-1, 1)
    flat = (flat == features_to_use).astype(jnp.float32) * flat  # (N, T)
    f = flat.reshape(feat.shape[0], -1)
    hv = f[..., None]                               # (N, T, 1)
    # --- message passing: src_mul_edge + sum ---
    src = edge_index[0]
    dst = edge_index[1]
    m = hv[src] * he[:, None, :]                    # (E, T, 1)*(E, 1, K) -> (E, T, K)
    hv_new = jax.ops.segment_sum(m, dst, num_segments=N)  # (N, T, K)
    x = hv_new.reshape(N, T, -1)
    # --- BatchNorm1d(T), training-mode batch stats ---
    mean = jnp.mean(x, axis=(0, 2), keepdims=True)
    var = jnp.var(x, axis=(0, 2), keepdims=True)
    xn = (x - mean) / jnp.sqrt(var + 1e-5)
    return xn * bn_weight.reshape(1, -1, 1) + bn_bias.reshape(1, -1, 1)

if __name__ == "__main__":
    import jax
    _d = setup_inputs()
    print(jax.jit(kernel)(*tuple(_d.values())))

</pallas_src>

<mosaic_0001>
#map = affine_map<(d0, d1) -> (0, 0)>
#map1 = affine_map<(d0, d1) -> (0)>
module attributes {stable_mosaic.version = 14 : i64} {
  func.func @_sc_scatter_kernel(%arg0: i32, %arg1: i32, %arg2: memref<2x3200000xf32, #tpu.memory_space<hbm>>, %arg3: memref<800000xi32, #tpu.memory_space<hbm>>, %arg4: memref<800000xi32, #tpu.memory_space<hbm>>, %arg5: memref<50048xi32, #tpu.memory_space<hbm>>, %arg6: memref<2x1600000xf32, #tpu.memory_space<hbm>>, %arg7: memref<1600000xf32, #tpu.memory_space<vmem_shared>>, %arg8: memref<1280xi32, #tpu.memory_space<vmem>>, %arg9: memref<1280xi32, #tpu.memory_space<vmem>>, %arg10: memref<1280xi32, #tpu.memory_space<vmem>>, %arg11: memref<1280xi32, #tpu.memory_space<vmem>>, %arg12: memref<1280xf32, #tpu.memory_space<vmem>>, %arg13: memref<5120xf32, #tpu.memory_space<vmem>>, %arg14: memref<5120xf32, #tpu.memory_space<vmem>>, %arg15: memref<40x128xi32, #tpu.memory_space<vmem>>, %arg16: memref<!tpu.dma_semaphore, #tpu.memory_space<semaphore_mem>>, %arg17: memref<!tpu.dma_semaphore, #tpu.memory_space<semaphore_mem>>) attributes {dimension_semantics = [#tpu.dimension_semantics<core_parallel>, #tpu.dimension_semantics<subcore_parallel>], iteration_bounds = array<i64: 2, 16>, scalar_prefetch = 0 : i64, scratch_operands = 11 : i64, tpu.core_type = #tpu.core_type<sc_vector_subcore>, window_params = [{transform_indices = #map}, {transform_indices = #map1}, {transform_indices = #map1}, {transform_indices = #map1}, {transform_indices = #map}]} {
    %iota3A = tpu.iota {dimensions = array<i32: 0>} : vector<16xi32>
    %shift_right_arithmetic3A = arith.constant 2 : i32
    %shift_right_arithmetic3A_0 = vector.broadcast %shift_right_arithmetic3A : i32 to vector<16xi32>
    %shift_right_arithmetic3A_1 = arith.shrsi %iota3A, %shift_right_arithmetic3A_0 : vector<16xi32>
    %and3A = arith.constant 3 : i32
    %and3A_2 = vector.broadcast %and3A : i32 to vector<16xi32>
    %and3A_3 = arith.andi %iota3A, %and3A_2 : vector<16xi32>
    %broadcast_in_dim3A = arith.constant 0.000000e+00 : f32
    %broadcast_in_dim3A_4 = vector.broadcast %broadcast_in_dim3A : f32 to vector<16xf32>
    %scan3A = arith.constant 0 : i32
    %scan3A_5 = arith.constant 320 : i32
    %scan3A_6 = arith.addi %scan3A, %scan3A_5 : i32
    %scan3A_7 = arith.constant 1 : i32
    scf.for %scan3A_25 = %scan3A to %scan3A_6 step %scan3A_7  : i32 {
      %mul3A = arith.constant 16 : i32
      %mul3A_26 = arith.muli %scan3A_25, %mul3A : i32
      %swap3A = arith.index_cast %mul3A_26 : i32 to index
      %swap3A_27 = tpu.vector_load %arg14[%swap3A] {strides = array<i32>} : memref<5120xf32, #tpu.memory_space<vmem>>, vector<16xf32>,
      %swap3A_28 = vector.shape_cast %swap3A_27 : vector<16xf32> to vector<16xf32>
      %swap3A_29 = vector.shape_cast %broadcast_in_dim3A_4 : vector<16xf32> to vector<16xf32>
      tpu.vector_store %arg14[%swap3A], %swap3A_29 {strides = array<i32>} : memref<5120xf32, #tpu.memory_space<vmem>>, vector<16xf32>,
    }
    %scan3A_8 = arith.constant 320 : i32
    %scan3A_9 = arith.constant 0 : i32
    %scan3A_10 = arith.constant 25 : i32
    %scan3A_11 = arith.addi %scan3A_9, %scan3A_10 : i32
    %scan3A_12 = arith.constant 1 : i32
    scf.for %scan3A_25 = %scan3A_9 to %scan3A_11 step %scan3A_12  : i32 {
      %mul3A = arith.constant 16 : i32
      %mul3A_26 = arith.muli %scan3A_25, %mul3A : i32
      %add3A = arith.addi %arg1, %mul3A_26 : i32
      %mul3A_27 = arith.constant 4000 : i32
      %mul3A_28 = arith.muli %add3A, %mul3A_27 : i32
      "tpu.region"() ({
        %run_scoped3A = tpu.sem_alloc : memref<!tpu.dma_semaphore, #tpu.memory_space<semaphore_mem>>
        %dma_start3A = arith.constant 0 : i32
        %dma_start3A_29 = tpu.memref_slice %arg14[%dma_start3A] : memref<5120xf32, #tpu.memory_space<vmem>> -> memref<4000xf32, #tpu.memory_space<vmem>>
        %dma_start3A_30 = tpu.memref_slice %arg7[%mul3A_28] : memref<1600000xf32, #tpu.memory_space<vmem_shared>> -> memref<4000xf32, #tpu.memory_space<vmem_shared>>
        %dma_start3A_31 = tpu.memref_slice %arg7[%mul3A_28] : memref<1600000xf32, #tpu.memory_space<vmem_shared>> -> memref<4000xf32, #tpu.memory_space<vmem_shared>>
        %dma_start3A_32 = arith.constant 0 : i32
        %dma_start3A_33 = tpu.memref_slice %arg14[%dma_start3A_32] : memref<5120xf32, #tpu.memory_space<vmem>> -> memref<4000xf32, #tpu.memory_space<vmem>>
        tpu.enqueue_dma source(%dma_start3A_33 : memref<4000xf32, #tpu.memory_space<vmem>>) target(%dma_start3A_31 : memref<4000xf32, #tpu.memory_space<vmem_shared>>) target_semaphore(%run_scoped3A : memref<!tpu.dma_semaphore, #tpu.memory_space<semaphore_mem>>)
        %dma_wait3A = arith.constant 0 : i32
        %dma_wait3A_34 = tpu.memref_slice %arg14[%dma_wait3A] : memref<5120xf32, #tpu.memory_space<vmem>> -> memref<4000xf32, #tpu.memory_space<vmem>>
        %dma_wait3A_35 = tpu.memref_slice %arg7[%mul3A_28] : memref<1600000xf32, #tpu.memory_space<vmem_shared>> -> memref<4000xf32, #tpu.memory_space<vmem_shared>>
        %dma_wait3A_36 = tpu.memref_slice %arg7[%mul3A_28] : memref<1600000xf32, #tpu.memory_space<vmem_shared>> -> memref<4000xf32, #tpu.memory_space<vmem_shared>>
        %dma_wait3A_37 = arith.constant 0 : i32
        %dma_wait3A_38 = tpu.memref_slice %arg14[%dma_wait3A_37] : memref<5120xf32, #tpu.memory_space<vmem>> -> memref<4000xf32, #tpu.memory_space<vmem>>
        tpu.wait_dma2 semaphore(%run_scoped3A : memref<!tpu.dma_semaphore, #tpu.memory_space<semaphore_mem>>) src(%dma_wait3A_38 : memref<4000xf32, #tpu.memory_space<vmem>>) dst(%dma_wait3A_36 : memref<4000xf32, #tpu.memory_space<vmem_shared>>)
        tpu.yield
      }) : () -> ()
    }
    %scan3A_13 = arith.constant 25 : i32
    %barrier3A = arith.constant 0 : index
    tpu.barrier barrier_id(%barrier3A)
    %scan3A_14 = arith.constant 0 : i32
    %scan3A_15 = arith.constant 40 : i32
    %scan3A_16 = arith.addi %scan3A_14, %scan3A_15 : i32
    %scan3A_17 = arith.constant 1 : i32
    scf.for %scan3A_25 = %scan3A_14 to %scan3A_16 step %scan3A_17  : i32 {
      %mul3A = arith.constant 16 : i32
      %mul3A_26 = arith.muli %scan3A_25, %mul3A : i32
      %add3A = arith.addi %arg1, %mul3A_26 : i32
      %lt3A = arith.constant 625 : i32
      %lt3A_27 = arith.cmpi slt, %add3A, %lt3A : i32
      %convert_element_type3A = arith.extui %lt3A_27 : i1 to i32
      %cond3A = arith.constant 0 : i32
      %cond3A_28 = arith.cmpi ne, %convert_element_type3A, %cond3A : i32
      scf.if %cond3A_28 {
        %mul3A_29 = arith.constant 1280 : i32
        %mul3A_30 = arith.muli %add3A, %mul3A_29 : i32
        "tpu.region"() ({
          %run_scoped3A = tpu.sem_alloc : memref<!tpu.dma_semaphore, #tpu.memory_space<semaphore_mem>>
          %dma_start3A_801 = tpu.memref_slice %arg3[%mul3A_30] : memref<800000xi32, #tpu.memory_space<hbm>> -> memref<1280xi32, #tpu.memory_space<hbm>>
          %dma_start3A_802 = tpu.memref_slice %arg3[%mul3A_30] : memref<800000xi32, #tpu.memory_space<hbm>> -> memref<1280xi32, #tpu.memory_space<hbm>>
          tpu.enqueue_dma source(%dma_start3A_802 : memref<1280xi32, #tpu.memory_space<hbm>>) target(%arg8 : memref<1280xi32, #tpu.memory_space<vmem>>) target_semaphore(%run_scoped3A : memref<!tpu.dma_semaphore, #tpu.memory_space<semaphore_mem>>)
          %dma_wait3A_803 = tpu.memref_slice %arg3[%mul3A_30] : memref<800000xi32, #tpu.memory_space<hbm>> -> memref<1280xi32, #tpu.memory_space<hbm>>
          %dma_wait3A_804 = tpu.memref_slice %arg3[%mul3A_30] : memref<800000xi32, #tpu.memory_space<hbm>> -> memref<1280xi32, #tpu.memory_space<hbm>>
          tpu.wait_dma2 semaphore(%run_scoped3A : memref<!tpu.dma_semaphore, #tpu.memory_space<semaphore_mem>>) src(%dma_wait3A_804 : memref<1280xi32, #tpu.memory_space<hbm>>) dst(%arg8 : memref<1280xi32, #tpu.memory_space<vmem>>)
          tpu.yield
        }) : () -> ()
        "tpu.region"() ({
          %run_scoped3A = tpu.sem_alloc : memref<!tpu.dma_semaphore, #tpu.memory_space<semaphore_mem>>
          %dma_start3A_801 = tpu.memref_slice %arg4[%mul3A_30] : memref<800000xi32, #tpu.memory_space<hbm>> -> memref<1280xi32, #tpu.memory_space<hbm>>
          %dma_start3A_802 = tpu.memref_slice %arg4[%mul3A_30] : memref<800000xi32, #tpu.memory_space<hbm>> -> memref<1280xi32, #tpu.memory_space<hbm>>
          tpu.enqueue_dma source(%dma_start3A_802 : memref<1280xi32, #tpu.memory_space<hbm>>) target(%arg9 : memref<1280xi32, #tpu.memory_space<vmem>>) target_semaphore(%run_scoped3A : memref<!tpu.dma_semaphore, #tpu.memory_space<semaphore_mem>>)
          %dma_wait3A_803 = tpu.memref_slice %arg4[%mul3A_30] : memref<800000xi32, #tpu.memory_space<hbm>> -> memref<1280xi32, #tpu.memory_space<hbm>>
          %dma_wait3A_804 = tpu.memref_slice %arg4[%mul3A_30] : memref<800000xi32, #tpu.memory_space<hbm>> -> memref<1280xi32, #tpu.memory_space<hbm>>
          tpu.wait_dma2 semaphore(%run_scoped3A : memref<!tpu.dma_semaphore, #tpu.memory_space<semaphore_mem>>) src(%dma_wait3A_804 : memref<1280xi32, #tpu.memory_space<hbm>>) dst(%arg9 : memref<1280xi32, #tpu.memory_space<vmem>>)
          tpu.yield
        }) : () -> ()
        %dma_start3A = arith.constant 0 : i32
        %dma_start3A_31 = tpu.memref_slice %arg10[%dma_start3A] : memref<1280xi32, #tpu.memory_space<vmem>> -> memref<128xi32, #tpu.memory_space<vmem>>
        %dma_start3A_32 = arith.constant 0 : i32
        %dma_start3A_33 = tpu.memref_slice %arg8[%dma_start3A_32] : memref<1280xi32, #tpu.memory_space<vmem>> -> memref<128xi32, #tpu.memory_space<vmem>>
        %dma_start3A_34 = arith.constant 0 : i32
        %dma_start3A_35 = tpu.memref_slice %arg5[%dma_start3A_34] : memref<50048xi32, #tpu.memory_space<hbm>> -> memref<50048xi32, #tpu.memory_space<hbm>>
        tpu.enqueue_indirect_dma source(%dma_start3A_35 : memref<50048xi32, #tpu.memory_space<hbm>>) target(%dma_start3A_31 : memref<128xi32, #tpu.memory_space<vmem>>) offsets(%dma_start3A_33 : memref<128xi32, #tpu.memory_space<vmem>>) semaphore(%arg16 : memref<!tpu.dma_semaphore, #tpu.memory_space<semaphore_mem>>)
        %dma_start3A_36 = arith.constant 128 : i32
        %dma_start3A_37 = tpu.memref_slice %arg10[%dma_start3A_36] : memref<1280xi32, #tpu.memory_space<vmem>> -> memref<128xi32, #tpu.memory_space<vmem>>
        %dma_start3A_38 = arith.constant 128 : i32
        %dma_start3A_39 = tpu.memref_slice %arg8[%dma_start3A_38] : memref<1280xi32, #tpu.memory_space<vmem>> -> memref<128xi32, #tpu.memory_space<vmem>>
        %dma_start3A_40 = arith.constant 0 : i32
        %dma_start3A_41 = tpu.memref_slice %arg5[%dma_start3A_40] : memref<50048xi32, #tpu.memory_space<hbm>> -> memref<50048xi32, #tpu.memory_space<hbm>>
        tpu.enqueue_indirect_dma source(%dma_start3A_41 : memref<50048xi32, #tpu.memory_space<hbm>>) target(%dma_start3A_37 : memref<128xi32, #tpu.memory_space<vmem>>) offsets(%dma_start3A_39 : memref<128xi32, #tpu.memory_space<vmem>>) semaphore(%arg16 : memref<!tpu.dma_semaphore, #tpu.memory_space<semaphore_mem>>)
        %dma_start3A_42 = arith.constant 256 : i32
        %dma_start3A_43 = tpu.memref_slice %arg10[%dma_start3A_42] : memref<1280xi32, #tpu.memory_space<vmem>> -> memref<128xi32, #tpu.memory_space<vmem>>
        %dma_start3A_44 = arith.constant 256 : i32
        %dma_start3A_45 = tpu.memref_slice %arg8[%dma_start3A_44] : memref<1280xi32, #tpu.memory_space<vmem>> -> memref<128xi32, #tpu.memory_space<vmem>>
        %dma_start3A_46 = arith.constant 0 : i32
        %dma_start3A_47 = tpu.memref_slice %arg5[%dma_start3A_46] : memref<50048xi32, #tpu.memory_space<hbm>> -> memref<50048xi32, #tpu.memory_space<hbm>>
        tpu.enqueue_indirect_dma source(%dma_start3A_47 : memref<50048xi32, #tpu.memory_space<hbm>>) target(%dma_start3A_43 : memref<128xi32, #tpu.memory_space<vmem>>) offsets(%dma_start3A_45 : memref<128xi32, #tpu.memory_space<vmem>>) semaphore(%arg16 : memref<!tpu.dma_semaphore, #tpu.memory_space<semaphore_mem>>)
        %dma_start3A_48 = arith.constant 384 : i32
        %dma_start3A_49 = tpu.memref_slice %arg10[%dma_start3A_48] : memref<1280xi32, #tpu.memory_space<vmem>> -> memref<128xi32, #tpu.memory_space<vmem>>
        %dma_start3A_50 = arith.constant 384 : i32
        %dma_start3A_51 = tpu.memref_slice %arg8[%dma_start3A_50] : memref<1280xi32, #tpu.memory_space<vmem>> -> memref<128xi32, #tpu.memory_space<vmem>>
        %dma_start3A_52 = arith.constant 0 : i32
        %dma_start3A_53 = tpu.memref_slice %arg5[%dma_start3A_52] : memref<50048xi32, #tpu.memory_space<hbm>> -> memref<50048xi32, #tpu.memory_space<hbm>>
        tpu.enqueue_indirect_dma source(%dma_start3A_53 : memref<50048xi32, #tpu.memory_space<hbm>>) target(%dma_start3A_49 : memref<128xi32, #tpu.memory_space<vmem>>) offsets(%dma_start3A_51 : memref<128xi32, #tpu.memory_space<vmem>>) semaphore(%arg16 : memref<!tpu.dma_semaphore, #tpu.memory_space<semaphore_mem>>)
        %dma_start3A_54 = arith.constant 512 : i32
        %dma_start3A_55 = tpu.memref_slice %arg10[%dma_start3A_54] : memref<1280xi32, #tpu.memory_space<vmem>> -> memref<128xi32, #tpu.memory_space<vmem>>
        %dma_start3A_56 = arith.constant 512 : i32
        %dma_start3A_57 = tpu.memref_slice %arg8[%dma_start3A_56] : memref<1280xi32, #tpu.memory_space<vmem>> -> memref<128xi32, #tpu.memory_space<vmem>>
        %dma_start3A_58 = arith.constant 0 : i32
        %dma_start3A_59 = tpu.memref_slice %arg5[%dma_start3A_58] : memref<50048xi32, #tpu.memory_space<hbm>> -> memref<50048xi32, #tpu.memory_space<hbm>>
        tpu.enqueue_indirect_dma source(%dma_start3A_59 : memref<50048xi32, #tpu.memory_space<hbm>>) target(%dma_start3A_55 : memref<128xi32, #tpu.memory_space<vmem>>) offsets(%dma_start3A_57 : memref<128xi32, #tpu.memory_space<vmem>>) semaphore(%arg16 : memref<!tpu.dma_semaphore, #tpu.memory_space<semaphore_mem>>)
        %dma_start3A_60 = arith.constant 640 : i32
        %dma_start3A_61 = tpu.memref_slice %arg10[%dma_start3A_60] : memref<1280xi32, #tpu.memory_space<vmem>> -> memref<128xi32, #tpu.memory_space<vmem>>
        %dma_start3A_62 = arith.constant 640 : i32
        %dma_start3A_63 = tpu.memref_slice %arg8[%dma_start3A_62] : memref<1280xi32, #tpu.memory_space<vmem>> -> memref<128xi32, #tpu.memory_space<vmem>>
        %dma_start3A_64 = arith.constant 0 : i32
        %dma_start3A_65 = tpu.memref_slice %arg5[%dma_start3A_64] : memref<50048xi32, #tpu.memory_space<hbm>> -> memref<50048xi32, #tpu.memory_space<hbm>>
        tpu.enqueue_indirect_dma source(%dma_start3A_65 : memref<50048xi32, #tpu.memory_space<hbm>>) target(%dma_start3A_61 : memref<128xi32, #tpu.memory_space<vmem>>) offsets(%dma_start3A_63 : memref<128xi32, #tpu.memory_space<vmem>>) semaphore(%arg16 : memref<!tpu.dma_semaphore, #tpu.memory_space<semaphore_mem>>)
        %dma_start3A_66 = arith.constant 768 : i32
        %dma_start3A_67 = tpu.memref_slice %arg10[%dma_start3A_66] : memref<1280xi32, #tpu.memory_space<vmem>> -> memref<128xi32, #tpu.memory_space<vmem>>
        %dma_start3A_68 = arith.constant 768 : i32
        %dma_start3A_69 = tpu.memref_slice %arg8[%dma_start3A_68] : memref<1280xi32, #tpu.memory_space<vmem>> -> memref<128xi32, #tpu.memory_space<vmem>>
        %dma_start3A_70 = arith.constant 0 : i32
        %dma_start3A_71 = tpu.memref_slice %arg5[%dma_start3A_70] : memref<50048xi32, #tpu.memory_space<hbm>> -> memref<50048xi32, #tpu.memory_space<hbm>>
        tpu.enqueue_indirect_dma source(%dma_start3A_71 : memref<50048xi32, #tpu.memory_space<hbm>>) target(%dma_start3A_67 : memref<128xi32, #tpu.memory_space<vmem>>) offsets(%dma_start3A_69 : memref<128xi32, #tpu.memory_space<vmem>>) semaphore(%arg16 : memref<!tpu.dma_semaphore, #tpu.memory_space<semaphore_mem>>)
        %dma_start3A_72 = arith.constant 896 : i32
        %dma_start3A_73 = tpu.memref_slice %arg10[%dma_start3A_72] : memref<1280xi32, #tpu.memory_space<vmem>> -> memref<128xi32, #tpu.memory_space<vmem>>
        %dma_start3A_74 = arith.constant 896 : i32
        %dma_start3A_75 = tpu.memref_slice %arg8[%dma_start3A_74] : memref<1280xi32, #tpu.memory_space<vmem>> -> memref<128xi32, #tpu.memory_space<vmem>>
        %dma_start3A_76 = arith.constant 0 : i32
        %dma_start3A_77 = tpu.memref_slice %arg5[%dma_start3A_76] : memref<50048xi32, #tpu.memory_space<hbm>> -> memref<50048xi32, #tpu.memory_space<hbm>>
        tpu.enqueue_indirect_dma source(%dma_start3A_77 : memref<50048xi32, #tpu.memory_space<hbm>>) target(%dma_start3A_73 : memref<128xi32, #tpu.memory_space<vmem>>) offsets(%dma_start3A_75 : memref<128xi32, #tpu.memory_space<vmem>>) semaphore(%arg16 : memref<!tpu.dma_semaphore, #tpu.memory_space<semaphore_mem>>)
        %dma_start3A_78 = arith.constant 1024 : i32
        %dma_start3A_79 = tpu.memref_slice %arg10[%dma_start3A_78] : memref<1280xi32, #tpu.memory_space<vmem>> -> memref<128xi32, #tpu.memory_space<vmem>>
        %dma_start3A_80 = arith.constant 1024 : i32
        %dma_start3A_81 = tpu.memref_slice %arg8[%dma_start3A_80] : memref<1280xi32, #tpu.memory_space<vmem>> -> memref<128xi32, #tpu.memory_space<vmem>>
        %dma_start3A_82 = arith.constant 0 : i32
        %dma_start3A_83 = tpu.memref_slice %arg5[%dma_start3A_82] : memref<50048xi32, #tpu.memory_space<hbm>> -> memref<50048xi32, #tpu.memory_space<hbm>>
        tpu.enqueue_indirect_dma source(%dma_start3A_83 : memref<50048xi32, #tpu.memory_space<hbm>>) target(%dma_start3A_79 : memref<128xi32, #tpu.memory_space<vmem>>) offsets(%dma_start3A_81 : memref<128xi32, #tpu.memory_space<vmem>>) semaphore(%arg16 : memref<!tpu.dma_semaphore, #tpu.memory_space<semaphore_mem>>)
        %dma_start3A_84 = arith.constant 1152 : i32
        %dma_start3A_85 = tpu.memref_slice %arg10[%dma_start3A_84] : memref<1280xi32, #tpu.memory_space<vmem>> -> memref<128xi32, #tpu.memory_space<vmem>>
        %dma_start3A_86 = arith.constant 1152 : i32
        %dma_start3A_87 = tpu.memref_slice %arg8[%dma_start3A_86] : memref<1280xi32, #tpu.memory_space<vmem>> -> memref<128xi32, #tpu.memory_space<vmem>>
        %dma_start3A_88 = arith.constant 0 : i32
        %dma_start3A_89 = tpu.memref_slice %arg5[%dma_start3A_88] : memref<50048xi32, #tpu.memory_space<hbm>> -> memref<50048xi32, #tpu.memory_space<hbm>>
        tpu.enqueue_indirect_dma source(%dma_start3A_89 : memref<50048xi32, #tpu.memory_space<hbm>>) target(%dma_start3A_85 : memref<128xi32, #tpu.memory_space<vmem>>) offsets(%dma_start3A_87 : memref<128xi32, #tpu.memory_space<vmem>>) semaphore(%arg16 : memref<!tpu.dma_semaphore, #tpu.memory_space<semaphore_mem>>)
        %mul3A_90 = arith.constant 5120 : i32
        %mul3A_91 = arith.muli %add3A, %mul3A_90 : i32
        "tpu.region"() ({
          %run_scoped3A = tpu.sem_alloc : memref<!tpu.dma_semaphore, #tpu.memory_space<semaphore_mem>>
          %dma_start3A_801 = tpu.memref_slice %arg2[%arg0, %mul3A_91] : memref<2x3200000xf32, #tpu.memory_space<hbm>> -> memref<1x5120xf32, #tpu.memory_space<hbm>>
          %dma_start3A_802 = tpu.memref_squeeze %dma_start3A_801 : memref<1x5120xf32, #tpu.memory_space<hbm>> -> memref<5120xf32, #tpu.memory_space<hbm>>
          %dma_start3A_803 = tpu.memref_slice %arg2[%arg0, %mul3A_91] : memref<2x3200000xf32, #tpu.memory_space<hbm>> -> memref<1x5120xf32, #tpu.memory_space<hbm>>
          %dma_start3A_804 = tpu.memref_squeeze %dma_start3A_803 : memref<1x5120xf32, #tpu.memory_space<hbm>> -> memref<5120xf32, #tpu.memory_space<hbm>>
          tpu.enqueue_dma source(%dma_start3A_804 : memref<5120xf32, #tpu.memory_space<hbm>>) target(%arg13 : memref<5120xf32, #tpu.memory_space<vmem>>) target_semaphore(%run_scoped3A : memref<!tpu.dma_semaphore, #tpu.memory_space<semaphore_mem>>)
          %dma_wait3A_805 = tpu.memref_slice %arg2[%arg0, %mul3A_91] : memref<2x3200000xf32, #tpu.memory_space<hbm>> -> memref<1x5120xf32, #tpu.memory_space<hbm>>
          %dma_wait3A_806 = tpu.memref_squeeze %dma_wait3A_805 : memref<1x5120xf32, #tpu.memory_space<hbm>> -> memref<5120xf32, #tpu.memory_space<hbm>>
          %dma_wait3A_807 = tpu.memref_slice %arg2[%arg0, %mul3A_91] : memref<2x3200000xf32, #tpu.memory_space<hbm>> -> memref<1x5120xf32, #tpu.memory_space<hbm>>
          %dma_wait3A_808 = tpu.memref_squeeze %dma_wait3A_807 : memref<1x5120xf32, #tpu.memory_space<hbm>> -> memref<5120xf32, #tpu.memory_space<hbm>>
          tpu.wait_dma2 semaphore(%run_scoped3A : memref<!tpu.dma_semaphore, #tpu.memory_space<semaphore_mem>>) src(%dma_wait3A_808 : memref<5120xf32, #tpu.memory_space<hbm>>) dst(%arg13 : memref<5120xf32, #tpu.memory_space<vmem>>)
          tpu.yield
        }) : () -> ()
        %dma_wait3A = arith.constant 0 : i32
        %dma_wait3A_92 = tpu.memref_slice %arg10[%dma_wait3A] : memref<1280xi32, #tpu.memory_space<vmem>> -> memref<128xi32, #tpu.memory_space<vmem>>
        %dma_wait3A_93 = arith.constant 0 : i32
        %dma_wait3A_94 = tpu.memref_slice %arg8[%dma_wait3A_93] : memref<1280xi32, #tpu.memory_space<vmem>> -> memref<128xi32, #tpu.memory_space<vmem>>
        %dma_wait3A_95 = arith.constant 0 : i32
        %dma_wait3A_96 = tpu.memref_slice %arg5[%dma_wait3A_95] : memref<50048xi32, #tpu.memory_space<hbm>> -> memref<50048xi32, #tpu.memory_space<hbm>>
        tpu.wait_indirect_dma semaphore(%arg16 : memref<!tpu.dma_semaphore, #tpu.memory_space<semaphore_mem>>) src(%dma_wait3A_96 : memref<50048xi32, #tpu.memory_space<hbm>>) dst(%dma_wait3A_92 : memref<128xi32, #tpu.memory_space<vmem>>)
        %dma_wait3A_97 = arith.constant 128 : i32
        %dma_wait3A_98 = tpu.memref_slice %arg10[%dma_wait3A_97] : memref<1280xi32, #tpu.memory_space<vmem>> -> memref<128xi32, #tpu.memory_space<vmem>>
        %dma_wait3A_99 = arith.constant 128 : i32
        %dma_wait3A_100 = tpu.memref_slice %arg8[%dma_wait3A_99] : memref<1280xi32, #tpu.memory_space<vmem>> -> memref<128xi32, #tpu.memory_space<vmem>>
        %dma_wait3A_101 = arith.constant 0 : i32
        %dma_wait3A_102 = tpu.memref_slice %arg5[%dma_wait3A_101] : memref<50048xi32, #tpu.memory_space<hbm>> -> memref<50048xi32, #tpu.memory_space<hbm>>
        tpu.wait_indirect_dma semaphore(%arg16 : memref<!tpu.dma_semaphore, #tpu.memory_space<semaphore_mem>>) src(%dma_wait3A_102 : memref<50048xi32, #tpu.memory_space<hbm>>) dst(%dma_wait3A_98 : memref<128xi32, #tpu.memory_space<vmem>>)
        %dma_wait3A_103 = arith.constant 256 : i32
        %dma_wait3A_104 = tpu.memref_slice %arg10[%dma_wait3A_103] : memref<1280xi32, #tpu.memory_space<vmem>> -> memref<128xi32, #tpu.memory_space<vmem>>
        %dma_wait3A_105 = arith.constant 256 : i32
        %dma_wait3A_106 = tpu.memref_slice %arg8[%dma_wait3A_105] : memref<1280xi32, #tpu.memory_space<vmem>> -> memref<128xi32, #tpu.memory_space<vmem>>
        %dma_wait3A_107 = arith.constant 0 : i32
        %dma_wait3A_108 = tpu.memref_slice %arg5[%dma_wait3A_107] : memref<50048xi32, #tpu.memory_space<hbm>> -> memref<50048xi32, #tpu.memory_space<hbm>>
        tpu.wait_indirect_dma semaphore(%arg16 : memref<!tpu.dma_semaphore, #tpu.memory_space<semaphore_mem>>) src(%dma_wait3A_108 : memref<50048xi32, #tpu.memory_space<hbm>>) dst(%dma_wait3A_104 : memref<128xi32, #tpu.memory_space<vmem>>)
        %dma_wait3A_109 = arith.constant 384 : i32
        %dma_wait3A_110 = tpu.memref_slice %arg10[%dma_wait3A_109] : memref<1280xi32, #tpu.memory_space<vmem>> -> memref<128xi32, #tpu.memory_space<vmem>>
        %dma_wait3A_111 = arith.constant 384 : i32
        %dma_wait3A_112 = tpu.memref_slice %arg8[%dma_wait3A_111] : memref<1280xi32, #tpu.memory_space<vmem>> -> memref<128xi32, #tpu.memory_space<vmem>>
        %dma_wait3A_113 = arith.constant 0 : i32
        %dma_wait3A_114 = tpu.memref_slice %arg5[%dma_wait3A_113] : memref<50048xi32, #tpu.memory_space<hbm>> -> memref<50048xi32, #tpu.memory_space<hbm>>
        tpu.wait_indirect_dma semaphore(%arg16 : memref<!tpu.dma_semaphore, #tpu.memory_space<semaphore_mem>>) src(%dma_wait3A_114 : memref<50048xi32, #tpu.memory_space<hbm>>) dst(%dma_wait3A_110 : memref<128xi32, #tpu.memory_space<vmem>>)
        %dma_wait3A_115 = arith.constant 512 : i32
        %dma_wait3A_116 = tpu.memref_slice %arg10[%dma_wait3A_115] : memref<1280xi32, #tpu.memory_space<vmem>> -> memref<128xi32, #tpu.memory_space<vmem>>
        %dma_wait3A_117 = arith.constant 512 : i32
        %dma_wait3A_118 = tpu.memref_slice %arg8[%dma_wait3A_117] : memref<1280xi32, #tpu.memory_space<vmem>> -> memref<128xi32, #tpu.memory_space<vmem>>
        %dma_wait3A_119 = arith.constant 0 : i32
        %dma_wait3A_120 = tpu.memref_slice %arg5[%dma_wait3A_119] : memref<50048xi32, #tpu.memory_space<hbm>> -> memref<50048xi32, #tpu.memory_space<hbm>>
        tpu.wait_indirect_dma semaphore(%arg16 : memref<!tpu.dma_semaphore, #tpu.memory_space<semaphore_mem>>) src(%dma_wait3A_120 : memref<50048xi32, #tpu.memory_space<hbm>>) dst(%dma_wait3A_116 : memref<128xi32, #tpu.memory_space<vmem>>)
        %dma_wait3A_121 = arith.constant 640 : i32
        %dma_wait3A_122 = tpu.memref_slice %arg10[%dma_wait3A_121] : memref<1280xi32, #tpu.memory_space<vmem>> -> memref<128xi32, #tpu.memory_space<vmem>>
        %dma_wait3A_123 = arith.constant 640 : i32
        %dma_wait3A_124 = tpu.memref_slice %arg8[%dma_wait3A_123] : memref<1280xi32, #tpu.memory_space<vmem>> -> memref<128xi32, #tpu.memory_space<vmem>>
        %dma_wait3A_125 = arith.constant 0 : i32
        %dma_wait3A_126 = tpu.memref_slice %arg5[%dma_wait3A_125] : memref<50048xi32, #tpu.memory_space<hbm>> -> memref<50048xi32, #tpu.memory_space<hbm>>
        tpu.wait_indirect_dma semaphore(%arg16 : memref<!tpu.dma_semaphore, #tpu.memory_space<semaphore_mem>>) src(%dma_wait3A_126 : memref<50048xi32, #tpu.memory_space<hbm>>) dst(%dma_wait3A_122 : memref<128xi32, #tpu.memory_space<vmem>>)
        %dma_wait3A_127 = arith.constant 768 : i32
        %dma_wait3A_128 = tpu.memref_slice %arg10[%dma_wait3A_127] : memref<1280xi32, #tpu.memory_space<vmem>> -> memref<128xi32, #tpu.memory_space<vmem>>
        %dma_wait3A_129 = arith.constant 768 : i32
        %dma_wait3A_130 = tpu.memref_slice %arg8[%dma_wait3A_129] : memref<1280xi32, #tpu.memory_space<vmem>> -> memref<128xi32, #tpu.memory_space<vmem>>
        %dma_wait3A_131 = arith.constant 0 : i32
        %dma_wait3A_132 = tpu.memref_slice %arg5[%dma_wait3A_131] : memref<50048xi32, #tpu.memory_space<hbm>> -> memref<50048xi32, #tpu.memory_space<hbm>>
        tpu.wait_indirect_dma semaphore(%arg16 : memref<!tpu.dma_semaphore, #tpu.memory_space<semaphore_mem>>) src(%dma_wait3A_132 : memref<50048xi32, #tpu.memory_space<hbm>>) dst(%dma_wait3A_128 : memref<128xi32, #tpu.memory_space<vmem>>)
        %dma_wait3A_133 = arith.constant 896 : i32
        %dma_wait3A_134 = tpu.memref_slice %arg10[%dma_wait3A_133] : memref<1280xi32, #tpu.memory_space<vmem>> -> memref<128xi32, #tpu.memory_space<vmem>>
        %dma_wait3A_135 = arith.constant 896 : i32
        %dma_wait3A_136 = tpu.memref_slice %arg8[%dma_wait3A_135] : memref<1280xi32, #tpu.memory_space<vmem>> -> memref<128xi32, #tpu.memory_space<vmem>>
        %dma_wait3A_137 = arith.constant 0 : i32
        %dma_wait3A_138 = tpu.memref_slice %arg5[%dma_wait3A_137] : memref<50048xi32, #tpu.memory_space<hbm>> -> memref<50048xi32, #tpu.memory_space<hbm>>
        tpu.wait_indirect_dma semaphore(%arg16 : memref<!tpu.dma_semaphore, #tpu.memory_space<semaphore_mem>>) src(%dma_wait3A_138 : memref<50048xi32, #tpu.memory_space<hbm>>) dst(%dma_wait3A_134 : memref<128xi32, #tpu.memory_space<vmem>>)
        %dma_wait3A_139 = arith.constant 1024 : i32
        %dma_wait3A_140 = tpu.memref_slice %arg10[%dma_wait3A_139] : memref<1280xi32, #tpu.memory_space<vmem>> -> memref<128xi32, #tpu.memory_space<vmem>>
        %dma_wait3A_141 = arith.constant 1024 : i32
        %dma_wait3A_142 = tpu.memref_slice %arg8[%dma_wait3A_141] : memref<1280xi32, #tpu.memory_space<vmem>> -> memref<128xi32, #tpu.memory_space<vmem>>
        %dma_wait3A_143 = arith.constant 0 : i32
        %dma_wait3A_144 = tpu.memref_slice %arg5[%dma_wait3A_143] : memref<50048xi32, #tpu.memory_space<hbm>> -> memref<50048xi32, #tpu.memory_space<hbm>>
        tpu.wait_indirect_dma semaphore(%arg16 : memref<!tpu.dma_semaphore, #tpu.memory_space<semaphore_mem>>) src(%dma_wait3A_144 : memref<50048xi32, #tpu.memory_space<hbm>>) dst(%dma_wait3A_140 : memref<128xi32, #tpu.memory_space<vmem>>)
        %dma_wait3A_145 = arith.constant 1152 : i32
        %dma_wait3A_146 = tpu.memref_slice %arg10[%dma_wait3A_145] : memref<1280xi32, #tpu.memory_space<vmem>> -> memref<128xi32, #tpu.memory_space<vmem>>
        %dma_wait3A_147 = arith.constant 1152 : i32
        %dma_wait3A_148 = tpu.memref_slice %arg8[%dma_wait3A_147] : memref<1280xi32, #tpu.memory_space<vmem>> -> memref<128xi32, #tpu.memory_space<vmem>>
        %dma_wait3A_149 = arith.constant 0 : i32
        %dma_wait3A_150 = tpu.memref_slice %arg5[%dma_wait3A_149] : memref<50048xi32, #tpu.memory_space<hbm>> -> memref<50048xi32, #tpu.memory_space<hbm>>
        tpu.wait_indirect_dma semaphore(%arg16 : memref<!tpu.dma_semaphore, #tpu.memory_space<semaphore_mem>>) src(%dma_wait3A_150 : memref<50048xi32, #tpu.memory_space<hbm>>) dst(%dma_wait3A_146 : memref<128xi32, #tpu.memory_space<vmem>>)
        %scan3A_151 = arith.constant 0 : i32
        %scan3A_152 = arith.constant 80 : i32
        %scan3A_153 = arith.addi %scan3A_151, %scan3A_152 : i32
        %scan3A_154 = arith.constant 1 : i32
        scf.for %scan3A_801 = %scan3A_151 to %scan3A_153 step %scan3A_154  : i32 {
          %mul3A_802 = arith.constant 16 : i32
          %mul3A_803 = arith.muli %scan3A_801, %mul3A_802 : i32
          %get3A = arith.index_cast %mul3A_803 : i32 to index
          %get3A_804 = tpu.vector_load %arg10[%get3A] {strides = array<i32>} : memref<1280xi32, #tpu.memory_space<vmem>>, vector<16xi32>,
          %get3A_805 = vector.shape_cast %get3A_804 : vector<16xi32> to vector<16xi32>
          %mul3A_806 = arith.constant 16 : i32
          %mul3A_807 = arith.muli %scan3A_801, %mul3A_806 : i32
          %get3A_808 = arith.index_cast %mul3A_807 : i32 to index
          %get3A_809 = tpu.vector_load %arg9[%get3A_808] {strides = array<i32>} : memref<1280xi32, #tpu.memory_space<vmem>>, vector<16xi32>,
          %get3A_810 = vector.shape_cast %get3A_809 : vector<16xi32> to vector<16xi32>
          %mul3A_811 = arith.constant 8 : i32
          %mul3A_812 = vector.broadcast %mul3A_811 : i32 to vector<16xi32>
          %mul3A_813 = arith.muli %get3A_810, %mul3A_812 : vector<16xi32>
          %and3A_814 = arith.constant 7 : i32
          %and3A_815 = vector.broadcast %and3A_814 : i32 to vector<16xi32>
          %and3A_816 = arith.andi %get3A_805, %and3A_815 : vector<16xi32>
          %add3A_817 = arith.addi %mul3A_813, %and3A_816 : vector<16xi32>
          %mul3A_818 = arith.constant 4 : i32
          %mul3A_819 = vector.broadcast %mul3A_818 : i32 to vector<16xi32>
          %mul3A_820 = arith.muli %add3A_817, %mul3A_819 : vector<16xi32>
          %mul3A_821 = arith.constant 16 : i32
          %mul3A_822 = arith.muli %scan3A_801, %mul3A_821 : i32
          %swap3A = arith.index_cast %mul3A_822 : i32 to index
          %swap3A_823 = tpu.vector_load %arg11[%swap3A] {strides = array<i32>} : memref<1280xi32, #tpu.memory_space<vmem>>, vector<16xi32>,
          %swap3A_824 = vector.shape_cast %swap3A_823 : vector<16xi32> to vector<16xi32>
          %swap3A_825 = vector.shape_cast %mul3A_820 : vector<16xi32> to vector<16xi32>
          tpu.vector_store %arg11[%swap3A], %swap3A_825 {strides = array<i32>} : memref<1280xi32, #tpu.memory_space<vmem>>, vector<16xi32>,
          %shift_right_arithmetic3A_826 = arith.constant 3 : i32
          %shift_right_arithmetic3A_827 = vector.broadcast %shift_right_arithmetic3A_826 : i32 to vector<16xi32>
          %shift_right_arithmetic3A_828 = arith.shrsi %get3A_805, %shift_right_arithmetic3A_827 : vector<16xi32>
          %convert_element_type3A_829 = arith.sitofp %shift_right_arithmetic3A_828 : vector<16xi32> to vector<16xf32>
          %mul3A_830 = arith.constant 16 : i32
          %mul3A_831 = arith.muli %scan3A_801, %mul3A_830 : i32
          %swap3A_832 = arith.index_cast %mul3A_831 : i32 to index
          %swap3A_833 = tpu.vector_load %arg12[%swap3A_832] {strides = array<i32>} : memref<1280xf32, #tpu.memory_space<vmem>>, vector<16xf32>,
          %swap3A_834 = vector.shape_cast %swap3A_833 : vector<16xf32> to vector<16xf32>
          %swap3A_835 = vector.shape_cast %convert_element_type3A_829 : vector<16xf32> to vector<16xf32>
          tpu.vector_store %arg12[%swap3A_832], %swap3A_835 {strides = array<i32>} : memref<1280xf32, #tpu.memory_space<vmem>>, vector<16xf32>,
        }
        %scan3A_155 = arith.constant 80 : i32
        %scan3A_156 = arith.constant 0 : i32
        %scan3A_157 = arith.constant 320 : i32
        %scan3A_158 = arith.addi %scan3A_156, %scan3A_157 : i32
        %scan3A_159 = arith.constant 1 : i32
        scf.for %scan3A_801 = %scan3A_156 to %scan3A_158 step %scan3A_159  : i32 {
          %shift_right_arithmetic3A_802 = arith.constant 2 : i32
          %shift_right_arithmetic3A_803 = arith.shrsi %scan3A_801, %shift_right_arithmetic3A_802 : i32
          %mul3A_804 = arith.constant 16 : i32
          %mul3A_805 = arith.muli %mul3A_804, %shift_right_arithmetic3A_803 : i32
          %get3A = arith.index_cast %mul3A_805 : i32 to index
          %get3A_806 = tpu.vector_load %arg12[%get3A] {strides = array<i32>} : memref<1280xf32, #tpu.memory_space<vmem>>, vector<16xf32>,
          %get3A_807 = vector.shape_cast %get3A_806 : vector<16xf32> to vector<16xf32>
          %get3A_808 = arith.index_cast %mul3A_805 : i32 to index
          %get3A_809 = tpu.vector_load %arg11[%get3A_808] {strides = array<i32>} : memref<1280xi32, #tpu.memory_space<vmem>>, vector<16xi32>,
          %get3A_810 = vector.shape_cast %get3A_809 : vector<16xi32> to vector<16xi32>
          %and3A_811 = arith.constant 3 : i32
          %and3A_812 = arith.andi %scan3A_801, %and3A_811 : i32
          %mul3A_813 = arith.constant 4 : i32
          %mul3A_814 = arith.muli %and3A_812, %mul3A_813 : i32
          %add3A_815 = vector.broadcast %mul3A_814 : i32 to vector<16xi32>
          %add3A_816 = arith.addi %add3A_815, %shift_right_arithmetic3A_1 : vector<16xi32>
          %lt3A_817 = arith.constant 0 : i32
          %lt3A_818 = vector.broadcast %lt3A_817 : i32 to vector<16xi32>
          %lt3A_819 = arith.cmpi slt, %add3A_816, %lt3A_818 : vector<16xi32>
          %add3A_820 = arith.constant 16 : i32
          %add3A_821 = vector.broadcast %add3A_820 : i32 to vector<16xi32>
          %add3A_822 = arith.addi %add3A_816, %add3A_821 : vector<16xi32>
          %select_n3A = arith.select %lt3A_819, %add3A_822, %add3A_816 : vector<16xi1>, vector<16xi32>
          %broadcast_in_dim3A_823 = vector.shape_cast %select_n3A : vector<16xi32> to vector<16x1xi32>
          %gather3A = vector.shape_cast %broadcast_in_dim3A_823 : vector<16x1xi32> to vector<16xi32>
          %gather3A_824 = tpu.dynamic_gather %get3A_807[%gather3A] in [0] : vector<16xf32>, vector<16xi32> -> vector<16xf32>
          %lt3A_825 = arith.constant 0 : i32
          %lt3A_826 = vector.broadcast %lt3A_825 : i32 to vector<16xi32>
          %lt3A_827 = arith.cmpi slt, %add3A_816, %lt3A_826 : vector<16xi32>
          %add3A_828 = arith.constant 16 : i32
          %add3A_829 = vector.broadcast %add3A_828 : i32 to vector<16xi32>
          %add3A_830 = arith.addi %add3A_816, %add3A_829 : vector<16xi32>
          %select_n3A_831 = arith.select %lt3A_827, %add3A_830, %add3A_816 : vector<16xi1>, vector<16xi32>
          %broadcast_in_dim3A_832 = vector.shape_cast %select_n3A_831 : vector<16xi32> to vector<16x1xi32>
          %gather3A_833 = vector.shape_cast %broadcast_in_dim3A_832 : vector<16x1xi32> to vector<16xi32>
          %gather3A_834 = tpu.dynamic_gather %get3A_810[%gather3A_833] in [0] : vector<16xi32>, vector<16xi32> -> vector<16xi32>
          %mul3A_835 = arith.constant 16 : i32
          %mul3A_836 = arith.muli %scan3A_801, %mul3A_835 : i32
          %get3A_837 = arith.index_cast %mul3A_836 : i32 to index
          %get3A_838 = tpu.vector_load %arg13[%get3A_837] {strides = array<i32>} : memref<5120xf32, #tpu.memory_space<vmem>>, vector<16xf32>,
          %get3A_839 = vector.shape_cast %get3A_838 : vector<16xf32> to vector<16xf32>
          %mul3A_840 = arith.mulf %gather3A_824, %get3A_839 : vector<16xf32>
          %mul3A_841 = arith.constant 16 : i32
          %mul3A_842 = arith.muli %scan3A_801, %mul3A_841 : i32
          %swap3A = arith.index_cast %mul3A_842 : i32 to index
          %swap3A_843 = tpu.vector_load %arg14[%swap3A] {strides = array<i32>} : memref<5120xf32, #tpu.memory_space<vmem>>, vector<16xf32>,
          %swap3A_844 = vector.shape_cast %swap3A_843 : vector<16xf32> to vector<16xf32>
          %swap3A_845 = vector.shape_cast %mul3A_840 : vector<16xf32> to vector<16xf32>
          tpu.vector_store %arg14[%swap3A], %swap3A_845 {strides = array<i32>} : memref<5120xf32, #tpu.memory_space<vmem>>, vector<16xf32>,
          %add3A_846 = arith.addi %gather3A_834, %and3A_3 : vector<16xi32>
          %shift_right_arithmetic3A_847 = arith.constant 3 : i32
          %shift_right_arithmetic3A_848 = arith.shrsi %scan3A_801, %shift_right_arithmetic3A_847 : i32
          %and3A_849 = arith.constant 7 : i32
          %and3A_850 = arith.andi %scan3A_801, %and3A_849 : i32
          %mul3A_851 = arith.constant 16 : i32
          %mul3A_852 = arith.muli %and3A_850, %mul3A_851 : i32
          %swap3A_853 = arith.index_cast %shift_right_arithmetic3A_848 : i32 to index
          %swap3A_854 = arith.index_cast %mul3A_852 : i32 to index
          %swap3A_855 = tpu.vector_load %arg15[%swap3A_853, %swap3A_854] {strides = array<i32>} : memref<40x128xi32, #tpu.memory_space<vmem>>, vector<1x16xi32>,
          %swap3A_856 = vector.shape_cast %swap3A_855 : vector<1x16xi32> to vector<16xi32>
          %swap3A_857 = vector.shape_cast %add3A_846 : vector<16xi32> to vector<1x16xi32>
          tpu.vector_store %arg15[%swap3A_853, %swap3A_854], %swap3A_857 {strides = array<i32>} : memref<40x128xi32, #tpu.memory_space<vmem>>, vector<1x16xi32>,
        }
        %scan3A_160 = arith.constant 320 : i32
        %dma_start3A_161 = arith.constant 0 : i32
        %dma_start3A_162 = arith.constant 0 : i32
        %dma_start3A_163 = tpu.memref_slice %arg14[%dma_start3A_162] : memref<5120xf32, #tpu.memory_space<vmem>> -> memref<128xf32, #tpu.memory_space<vmem>>
        %dma_start3A_164 = arith.constant 0 : i32
        %dma_start3A_165 = tpu.memref_slice %arg15[%dma_start3A_161, %dma_start3A_164] : memref<40x128xi32, #tpu.memory_space<vmem>> -> memref<1x128xi32, #tpu.memory_space<vmem>>
        %dma_start3A_166 = tpu.memref_squeeze %dma_start3A_165 : memref<1x128xi32, #tpu.memory_space<vmem>> -> memref<128xi32, #tpu.memory_space<vmem>>
        %dma_start3A_167 = arith.constant 0 : i32
        %dma_start3A_168 = tpu.memref_slice %arg7[%dma_start3A_167] : memref<1600000xf32, #tpu.memory_space<vmem_shared>> -> memref<1600000xf32, #tpu.memory_space<vmem_shared>>
        tpu.enqueue_indirect_dma source(%dma_start3A_163 : memref<128xf32, #tpu.memory_space<vmem>>) target(%dma_start3A_168 : memref<1600000xf32, #tpu.memory_space<vmem_shared>>) offsets(%dma_start3A_166 : memref<128xi32, #tpu.memory_space<vmem>>) semaphore(%arg17 : memref<!tpu.dma_semaphore, #tpu.memory_space<semaphore_mem>>) {add = true}
        %dma_start3A_169 = arith.constant 1 : i32
        %dma_start3A_170 = arith.constant 128 : i32
        %dma_start3A_171 = tpu.memref_slice %arg14[%dma_start3A_170] : memref<5120xf32, #tpu.memory_space<vmem>> -> memref<128xf32, #tpu.memory_space<vmem>>
        %dma_start3A_172 = arith.constant 0 : i32
        %dma_start3A_173 = tpu.memref_slice %arg15[%dma_start3A_169, %dma_start3A_172] : memref<40x128xi32, #tpu.memory_space<vmem>> -> memref<1x128xi32, #tpu.memory_space<vmem>>
        %dma_start3A_174 = tpu.memref_squeeze %dma_start3A_173 : memref<1x128xi32, #tpu.memory_space<vmem>> -> memref<128xi32, #tpu.memory_space<vmem>>
        %dma_start3A_175 = arith.constant 0 : i32
        %dma_start3A_176 = tpu.memref_slice %arg7[%dma_start3A_175] : memref<1600000xf32, #tpu.memory_space<vmem_shared>> -> memref<1600000xf32, #tpu.memory_space<vmem_shared>>
        tpu.enqueue_indirect_dma source(%dma_start3A_171 : memref<128xf32, #tpu.memory_space<vmem>>) target(%dma_start3A_176 : memref<1600000xf32, #tpu.memory_space<vmem_shared>>) offsets(%dma_start3A_174 : memref<128xi32, #tpu.memory_space<vmem>>) semaphore(%arg17 : memref<!tpu.dma_semaphore, #tpu.memory_space<semaphore_mem>>) {add = true}
        %dma_start3A_177 = arith.constant 2 : i32
        %dma_start3A_178 = arith.constant 256 : i32
        %dma_start3A_179 = tpu.memref_slice %arg14[%dma_start3A_178] : memref<5120xf32, #tpu.memory_space<vmem>> -> memref<128xf32, #tpu.memory_space<vmem>>
        %dma_start3A_180 = arith.constant 0 : i32
        %dma_start3A_181 = tpu.memref_slice %arg15[%dma_start3A_177, %dma_start3A_180] : memref<40x128xi32, #tpu.memory_space<vmem>> -> memref<1x128xi32, #tpu.memory_space<vmem>>
        %dma_start3A_182 = tpu.memref_squeeze %dma_start3A_181 : memref<1x128xi32, #tpu.memory_space<vmem>> -> memref<128xi32, #tpu.memory_space<vmem>>
        %dma_start3A_183 = arith.constant 0 : i32
        %dma_start3A_184 = tpu.memref_slice %arg7[%dma_start3A_183] : memref<1600000xf32, #tpu.memory_space<vmem_shared>> -> memref<1600000xf32, #tpu.memory_space<vmem_shared>>
        tpu.enqueue_indirect_dma source(%dma_start3A_179 : memref<128xf32, #tpu.memory_space<vmem>>) target(%dma_start3A_184 : memref<1600000xf32, #tpu.memory_space<vmem_shared>>) offsets(%dma_start3A_182 : memref<128xi32, #tpu.memory_space<vmem>>) semaphore(%arg17 : memref<!tpu.dma_semaphore, #tpu.memory_space<semaphore_mem>>) {add = true}
        %dma_start3A_185 = arith.constant 3 : i32
        %dma_start3A_186 = arith.constant 384 : i32
        %dma_start3A_187 = tpu.memref_slice %arg14[%dma_start3A_186] : memref<5120xf32, #tpu.memory_space<vmem>> -> memref<128xf32, #tpu.memory_space<vmem>>
        %dma_start3A_188 = arith.constant 0 : i32
        %dma_start3A_189 = tpu.memref_slice %arg15[%dma_start3A_185, %dma_start3A_188] : memref<40x128xi32, #tpu.memory_space<vmem>> -> memref<1x128xi32, #tpu.memory_space<vmem>>
        %dma_start3A_190 = tpu.memref_squeeze %dma_start3A_189 : memref<1x128xi32, #tpu.memory_space<vmem>> -> memref<128xi32, #tpu.memory_space<vmem>>
        %dma_start3A_191 = arith.constant 0 : i32
        %dma_start3A_192 = tpu.memref_slice %arg7[%dma_start3A_191] : memref<1600000xf32, #tpu.memory_space<vmem_shared>> -> memref<1600000xf32, #tpu.memory_space<vmem_shared>>
        tpu.enqueue_indirect_dma source(%dma_start3A_187 : memref<128xf32, #tpu.memory_space<vmem>>) target(%dma_start3A_192 : memref<1600000xf32, #tpu.memory_space<vmem_shared>>) offsets(%dma_start3A_190 : memref<128xi32, #tpu.memory_space<vmem>>) semaphore(%arg17 : memref<!tpu.dma_semaphore, #tpu.memory_space<semaphore_mem>>) {add = true}
        %dma_start3A_193 = arith.constant 4 : i32
        %dma_start3A_194 = arith.constant 512 : i32
        %dma_start3A_195 = tpu.memref_slice %arg14[%dma_start3A_194] : memref<5120xf32, #tpu.memory_space<vmem>> -> memref<128xf32, #tpu.memory_space<vmem>>
        %dma_start3A_196 = arith.constant 0 : i32
        %dma_start3A_197 = tpu.memref_slice %arg15[%dma_start3A_193, %dma_start3A_196] : memref<40x128xi32, #tpu.memory_space<vmem>> -> memref<1x128xi32, #tpu.memory_space<vmem>>
        %dma_start3A_198 = tpu.memref_squeeze %dma_start3A_197 : memref<1x128xi32, #tpu.memory_space<vmem>> -> memref<128xi32, #tpu.memory_space<vmem>>
        %dma_start3A_199 = arith.constant 0 : i32
        %dma_start3A_200 = tpu.memref_slice %arg7[%dma_start3A_199] : memref<1600000xf32, #tpu.memory_space<vmem_shared>> -> memref<1600000xf32, #tpu.memory_space<vmem_shared>>
        tpu.enqueue_indirect_dma source(%dma_start3A_195 : memref<128xf32, #tpu.memory_space<vmem>>) target(%dma_start3A_200 : memref<1600000xf32, #tpu.memory_space<vmem_shared>>) offsets(%dma_start3A_198 : memref<128xi32, #tpu.memory_space<vmem>>) semaphore(%arg17 : memref<!tpu.dma_semaphore, #tpu.memory_space<semaphore_mem>>) {add = true}
        %dma_start3A_201 = arith.constant 5 : i32
        %dma_start3A_202 = arith.constant 640 : i32
        %dma_start3A_203 = tpu.memref_slice %arg14[%dma_start3A_202] : memref<5120xf32, #tpu.memory_space<vmem>> -> memref<128xf32, #tpu.memory_space<vmem>>
        %dma_start3A_204 = arith.constant 0 : i32
        %dma_start3A_205 = tpu.memref_slice %arg15[%dma_start3A_201, %dma_start3A_204] : memref<40x128xi32, #tpu.memory_space<vmem>> -> memref<1x128xi32, #tpu.memory_space<vmem>>
        %dma_start3A_206 = tpu.memref_squeeze %dma_start3A_205 : memref<1x128xi32, #tpu.memory_space<vmem>> -> memref<128xi32, #tpu.memory_space<vmem>>
        %dma_start3A_207 = arith.constant 0 : i32
        %dma_start3A_208 = tpu.memref_slice %arg7[%dma_start3A_207] : memref<1600000xf32, #tpu.memory_space<vmem_shared>> -> memref<1600000xf32, #tpu.memory_space<vmem_shared>>
        tpu.enqueue_indirect_dma source(%dma_start3A_203 : memref<128xf32, #tpu.memory_space<vmem>>) target(%dma_start3A_208 : memref<1600000xf32, #tpu.memory_space<vmem_shared>>) offsets(%dma_start3A_206 : memref<128xi32, #tpu.memory_space<vmem>>) semaphore(%arg17 : memref<!tpu.dma_semaphore, #tpu.memory_space<semaphore_mem>>) {add = true}
        %dma_start3A_209 = arith.constant 6 : i32
        %dma_start3A_210 = arith.constant 768 : i32
        %dma_start3A_211 = tpu.memref_slice %arg14[%dma_start3A_210] : memref<5120xf32, #tpu.memory_space<vmem>> -> memref<128xf32, #tpu.memory_space<vmem>>
        %dma_start3A_212 = arith.constant 0 : i32
        %dma_start3A_213 = tpu.memref_slice %arg15[%dma_start3A_209, %dma_start3A_212] : memref<40x128xi32, #tpu.memory_space<vmem>> -> memref<1x128xi32, #tpu.memory_space<vmem>>
        %dma_start3A_214 = tpu.memref_squeeze %dma_start3A_213 : memref<1x128xi32, #tpu.memory_space<vmem>> -> memref<128xi32, #tpu.memory_space<vmem>>
        %dma_start3A_215 = arith.constant 0 : i32
        %dma_start3A_216 = tpu.memref_slice %arg7[%dma_start3A_215] : memref<1600000xf32, #tpu.memory_space<vmem_shared>> -> memref<1600000xf32, #tpu.memory_space<vmem_shared>>
        tpu.enqueue_indirect_dma source(%dma_start3A_211 : memref<128xf32, #tpu.memory_space<vmem>>) target(%dma_start3A_216 : memref<1600000xf32, #tpu.memory_space<vmem_shared>>) offsets(%dma_start3A_214 : memref<128xi32, #tpu.memory_space<vmem>>) semaphore(%arg17 : memref<!tpu.dma_semaphore, #tpu.memory_space<semaphore_mem>>) {add = true}
        %dma_start3A_217 = arith.constant 7 : i32
        %dma_start3A_218 = arith.constant 896 : i32
        %dma_start3A_219 = tpu.memref_slice %arg14[%dma_start3A_218] : memref<5120xf32, #tpu.memory_space<vmem>> -> memref<128xf32, #tpu.memory_space<vmem>>
        %dma_start3A_220 = arith.constant 0 : i32
        %dma_start3A_221 = tpu.memref_slice %arg15[%dma_start3A_217, %dma_start3A_220] : memref<40x128xi32, #tpu.memory_space<vmem>> -> memref<1x128xi32, #tpu.memory_space<vmem>>
        %dma_start3A_222 = tpu.memref_squeeze %dma_start3A_221 : memref<1x128xi32, #tpu.memory_space<vmem>> -> memref<128xi32, #tpu.memory_space<vmem>>
        %dma_start3A_223 = arith.constant 0 : i32
        %dma_start3A_224 = tpu.memref_slice %arg7[%dma_start3A_223] : memref<1600000xf32, #tpu.memory_space<vmem_shared>> -> memref<1600000xf32, #tpu.memory_space<vmem_shared>>
        tpu.enqueue_indirect_dma source(%dma_start3A_219 : memref<128xf32, #tpu.memory_space<vmem>>) target(%dma_start3A_224 : memref<1600000xf32, #tpu.memory_space<vmem_shared>>) offsets(%dma_start3A_222 : memref<128xi32, #tpu.memory_space<vmem>>) semaphore(%arg17 : memref<!tpu.dma_semaphore, #tpu.memory_space<semaphore_mem>>) {add = true}
        %dma_start3A_225 = arith.constant 8 : i32
        %dma_start3A_226 = arith.constant 1024 : i32
        %dma_start3A_227 = tpu.memref_slice %arg14[%dma_start3A_226] : memref<5120xf32, #tpu.memory_space<vmem>> -> memref<128xf32, #tpu.memory_space<vmem>>
        %dma_start3A_228 = arith.constant 0 : i32
        %dma_start3A_229 = tpu.memref_slice %arg15[%dma_start3A_225, %dma_start3A_228] : memref<40x128xi32, #tpu.memory_space<vmem>> -> memref<1x128xi32, #tpu.memory_space<vmem>>
        %dma_start3A_230 = tpu.memref_squeeze %dma_start3A_229 : memref<1x128xi32, #tpu.memory_space<vmem>> -> memref<128xi32, #tpu.memory_space<vmem>>
        %dma_start3A_231 = arith.constant 0 : i32
        %dma_start3A_232 = tpu.memref_slice %arg7[%dma_start3A_231] : memref<1600000xf32, #tpu.memory_space<vmem_shared>> -> memref<1600000xf32, #tpu.memory_space<vmem_shared>>
        tpu.enqueue_indirect_dma source(%dma_start3A_227 : memref<128xf32, #tpu.memory_space<vmem>>) target(%dma_start3A_232 : memref<1600000xf32, #tpu.memory_space<vmem_shared>>) offsets(%dma_start3A_230 : memref<128xi32, #tpu.memory_space<vmem>>) semaphore(%arg17 : memref<!tpu.dma_semaphore, #tpu.memory_space<semaphore_mem>>) {add = true}
        %dma_start3A_233 = arith.constant 9 : i32
        %dma_start3A_234 = arith.constant 1152 : i32
        %dma_start3A_235 = tpu.memref_slice %arg14[%dma_start3A_234] : memref<5120xf32, #tpu.memory_space<vmem>> -> memref<128xf32, #tpu.memory_space<vmem>>
        %dma_start3A_236 = arith.constant 0 : i32
        %dma_start3A_237 = tpu.memref_slice %arg15[%dma_start3A_233, %dma_start3A_236] : memref<40x128xi32, #tpu.memory_space<vmem>> -> memref<1x128xi32, #tpu.memory_space<vmem>>
        %dma_start3A_238 = tpu.memref_squeeze %dma_start3A_237 : memref<1x128xi32, #tpu.memory_space<vmem>> -> memref<128xi32, #tpu.memory_space<vmem>>
        %dma_start3A_239 = arith.constant 0 : i32
        %dma_start3A_240 = tpu.memref_slice %arg7[%dma_start3A_239] : memref<1600000xf32, #tpu.memory_space<vmem_shared>> -> memref<1600000xf32, #tpu.memory_space<vmem_shared>>
        tpu.enqueue_indirect_dma source(%dma_start3A_235 : memref<128xf32, #tpu.memory_space<vmem>>) target(%dma_start3A_240 : memref<1600000xf32, #tpu.memory_space<vmem_shared>>) offsets(%dma_start3A_238 : memref<128xi32, #tpu.memory_space<vmem>>) semaphore(%arg17 : memref<!tpu.dma_semaphore, #tpu.memory_space<semaphore_mem>>) {add = true}
        %dma_start3A_241 = arith.constant 10 : i32
        %dma_start3A_242 = arith.constant 1280 : i32
        %dma_start3A_243 = tpu.memref_slice %arg14[%dma_start3A_242] : memref<5120xf32, #tpu.memory_space<vmem>> -> memref<128xf32, #tpu.memory_space<vmem>>
        %dma_start3A_244 = arith.constant 0 : i32
        %dma_start3A_245 = tpu.memref_slice %arg15[%dma_start3A_241, %dma_start3A_244] : memref<40x128xi32, #tpu.memory_space<vmem>> -> memref<1x128xi32, #tpu.memory_space<vmem>>
        %dma_start3A_246 = tpu.memref_squeeze %dma_start3A_245 : memref<1x128xi32, #tpu.memory_space<vmem>> -> memref<128xi32, #tpu.memory_space<vmem>>
        %dma_start3A_247 = arith.constant 0 : i32
        %dma_start3A_248 = tpu.memref_slice %arg7[%dma_start3A_247] : memref<1600000xf32, #tpu.memory_space<vmem_shared>> -> memref<1600000xf32, #tpu.memory_space<vmem_shared>>
        tpu.enqueue_indirect_dma source(%dma_start3A_243 : memref<128xf32, #tpu.memory_space<vmem>>) target(%dma_start3A_248 : memref<1600000xf32, #tpu.memory_space<vmem_shared>>) offsets(%dma_start3A_246 : memref<128xi32, #tpu.memory_space<vmem>>) semaphore(%arg17 : memref<!tpu.dma_semaphore, #tpu.memory_space<semaphore_mem>>) {add = true}
        %dma_start3A_249 = arith.constant 11 : i32
        %dma_start3A_250 = arith.constant 1408 : i32
        %dma_start3A_251 = tpu.memref_slice %arg14[%dma_start3A_250] : memref<5120xf32, #tpu.memory_space<vmem>> -> memref<128xf32, #tpu.memory_space<vmem>>
        %dma_start3A_252 = arith.constant 0 : i32
        %dma_start3A_253 = tpu.memref_slice %arg15[%dma_start3A_249, %dma_start3A_252] : memref<40x128xi32, #tpu.memory_space<vmem>> -> memref<1x128xi32, #tpu.memory_space<vmem>>
        %dma_start3A_254 = tpu.memref_squeeze %dma_start3A_253 : memref<1x128xi32, #tpu.memory_space<vmem>> -> memref<128xi32, #tpu.memory_space<vmem>>
        %dma_start3A_255 = arith.constant 0 : i32
        %dma_start3A_256 = tpu.memref_slice %arg7[%dma_start3A_255] : memref<1600000xf32, #tpu.memory_space<vmem_shared>> -> memref<1600000xf32, #tpu.memory_space<vmem_shared>>
        tpu.enqueue_indirect_dma source(%dma_start3A_251 : memref<128xf32, #tpu.memory_space<vmem>>) target(%dma_start3A_256 : memref<1600000xf32, #tpu.memory_space<vmem_shared>>) offsets(%dma_start3A_254 : memref<128xi32, #tpu.memory_space<vmem>>) semaphore(%arg17 : memref<!tpu.dma_semaphore, #tpu.memory_space<semaphore_mem>>) {add = true}
        %dma_start3A_257 = arith.constant 12 : i32
        %dma_start3A_258 = arith.constant 1536 : i32
        %dma_start3A_259 = tpu.memref_slice %arg14[%dma_start3A_258] : memref<5120xf32, #tpu.memory_space<vmem>> -> memref<128xf32, #tpu.memory_space<vmem>>
        %dma_start3A_260 = arith.constant 0 : i32
        %dma_start3A_261 = tpu.memref_slice %arg15[%dma_start3A_257, %dma_start3A_260] : memref<40x128xi32, #tpu.memory_space<vmem>> -> memref<1x128xi32, #tpu.memory_space<vmem>>
        %dma_start3A_262 = tpu.memref_squeeze %dma_start3A_261 : memref<1x128xi32, #tpu.memory_space<vmem>> -> memref<128xi32, #tpu.memory_space<vmem>>
        %dma_start3A_263 = arith.constant 0 : i32
        %dma_start3A_264 = tpu.memref_slice %arg7[%dma_start3A_263] : memref<1600000xf32, #tpu.memory_space<vmem_shared>> -> memref<1600000xf32, #tpu.memory_space<vmem_shared>>
        tpu.enqueue_indirect_dma source(%dma_start3A_259 : memref<128xf32, #tpu.memory_space<vmem>>) target(%dma_start3A_264 : memref<1600000xf32, #tpu.memory_space<vmem_shared>>) offsets(%dma_start3A_262 : memref<128xi32, #tpu.memory_space<vmem>>) semaphore(%arg17 : memref<!tpu.dma_semaphore, #tpu.memory_space<semaphore_mem>>) {add = true}
        %dma_start3A_265 = arith.constant 13 : i32
        %dma_start3A_266 = arith.constant 1664 : i32
        %dma_start3A_267 = tpu.memref_slice %arg14[%dma_start3A_266] : memref<5120xf32, #tpu.memory_space<vmem>> -> memref<128xf32, #tpu.memory_space<vmem>>
        %dma_start3A_268 = arith.constant 0 : i32
        %dma_start3A_269 = tpu.memref_slice %arg15[%dma_start3A_265, %dma_start3A_268] : memref<40x128xi32, #tpu.memory_space<vmem>> -> memref<1x128xi32, #tpu.memory_space<vmem>>
        %dma_start3A_270 = tpu.memref_squeeze %dma_start3A_269 : memref<1x128xi32, #tpu.memory_space<vmem>> -> memref<128xi32, #tpu.memory_space<vmem>>
        %dma_start3A_271 = arith.constant 0 : i32
        %dma_start3A_272 = tpu.memref_slice %arg7[%dma_start3A_271] : memref<1600000xf32, #tpu.memory_space<vmem_shared>> -> memref<1600000xf32, #tpu.memory_space<vmem_shared>>
        tpu.enqueue_indirect_dma source(%dma_start3A_267 : memref<128xf32, #tpu.memory_space<vmem>>) target(%dma_start3A_272 : memref<1600000xf32, #tpu.memory_space<vmem_shared>>) offsets(%dma_start3A_270 : memref<128xi32, #tpu.memory_space<vmem>>) semaphore(%arg17 : memref<!tpu.dma_semaphore, #tpu.memory_space<semaphore_mem>>) {add = true}
        %dma_start3A_273 = arith.constant 14 : i32
        %dma_start3A_274 = arith.constant 1792 : i32
        %dma_start3A_275 = tpu.memref_slice %arg14[%dma_start3A_274] : memref<5120xf32, #tpu.memory_space<vmem>> -> memref<128xf32, #tpu.memory_space<vmem>>
        %dma_start3A_276 = arith.constant 0 : i32
        %dma_start3A_277 = tpu.memref_slice %arg15[%dma_start3A_273, %dma_start3A_276] : memref<40x128xi32, #tpu.memory_space<vmem>> -> memref<1x128xi32, #tpu.memory_space<vmem>>
        %dma_start3A_278 = tpu.memref_squeeze %dma_start3A_277 : memref<1x128xi32, #tpu.memory_space<vmem>> -> memref<128xi32, #tpu.memory_space<vmem>>
        %dma_start3A_279 = arith.constant 0 : i32
        %dma_start3A_280 = tpu.memref_slice %arg7[%dma_start3A_279] : memref<1600000xf32, #tpu.memory_space<vmem_shared>> -> memref<1600000xf32, #tpu.memory_space<vmem_shared>>
        tpu.enqueue_indirect_dma source(%dma_start3A_275 : memref<128xf32, #tpu.memory_space<vmem>>) target(%dma_start3A_280 : memref<1600000xf32, #tpu.memory_space<vmem_shared>>) offsets(%dma_start3A_278 : memref<128xi32, #tpu.memory_space<vmem>>) semaphore(%arg17 : memref<!tpu.dma_semaphore, #tpu.memory_space<semaphore_mem>>) {add = true}
        %dma_start3A_281 = arith.constant 15 : i32
        %dma_start3A_282 = arith.constant 1920 : i32
        %dma_start3A_283 = tpu.memref_slice %arg14[%dma_start3A_282] : memref<5120xf32, #tpu.memory_space<vmem>> -> memref<128xf32, #tpu.memory_space<vmem>>
        %dma_start3A_284 = arith.constant 0 : i32
        %dma_start3A_285 = tpu.memref_slice %arg15[%dma_start3A_281, %dma_start3A_284] : memref<40x128xi32, #tpu.memory_space<vmem>> -> memref<1x128xi32, #tpu.memory_space<vmem>>
        %dma_start3A_286 = tpu.memref_squeeze %dma_start3A_285 : memref<1x128xi32, #tpu.memory_space<vmem>> -> memref<128xi32, #tpu.memory_space<vmem>>
        %dma_start3A_287 = arith.constant 0 : i32
        %dma_start3A_288 = tpu.memref_slice %arg7[%dma_start3A_287] : memref<1600000xf32, #tpu.memory_space<vmem_shared>> -> memref<1600000xf32, #tpu.memory_space<vmem_shared>>
        tpu.enqueue_indirect_dma source(%dma_start3A_283 : memref<128xf32, #tpu.memory_space<vmem>>) target(%dma_start3A_288 : memref<1600000xf32, #tpu.memory_space<vmem_shared>>) offsets(%dma_start3A_286 : memref<128xi32, #tpu.memory_space<vmem>>) semaphore(%arg17 : memref<!tpu.dma_semaphore, #tpu.memory_space<semaphore_mem>>) {add = true}
        %dma_start3A_289 = arith.constant 16 : i32
        %dma_start3A_290 = arith.constant 2048 : i32
        %dma_start3A_291 = tpu.memref_slice %arg14[%dma_start3A_290] : memref<5120xf32, #tpu.memory_space<vmem>> -> memref<128xf32, #tpu.memory_space<vmem>>
        %dma_start3A_292 = arith.constant 0 : i32
        %dma_start3A_293 = tpu.memref_slice %arg15[%dma_start3A_289, %dma_start3A_292] : memref<40x128xi32, #tpu.memory_space<vmem>> -> memref<1x128xi32, #tpu.memory_space<vmem>>
        %dma_start3A_294 = tpu.memref_squeeze %dma_start3A_293 : memref<1x128xi32, #tpu.memory_space<vmem>> -> memref<128xi32, #tpu.memory_space<vmem>>
        %dma_start3A_295 = arith.constant 0 : i32
        %dma_start3A_296 = tpu.memref_slice %arg7[%dma_start3A_295] : memref<1600000xf32, #tpu.memory_space<vmem_shared>> -> memref<1600000xf32, #tpu.memory_space<vmem_shared>>
        tpu.enqueue_indirect_dma source(%dma_start3A_291 : memref<128xf32, #tpu.memory_space<vmem>>) target(%dma_start3A_296 : memref<1600000xf32, #tpu.memory_space<vmem_shared>>) offsets(%dma_start3A_294 : memref<128xi32, #tpu.memory_space<vmem>>) semaphore(%arg17 : memref<!tpu.dma_semaphore, #tpu.memory_space<semaphore_mem>>) {add = true}
        %dma_start3A_297 = arith.constant 17 : i32
        %dma_start3A_298 = arith.constant 2176 : i32
        %dma_start3A_299 = tpu.memref_slice %arg14[%dma_start3A_298] : memref<5120xf32, #tpu.memory_space<vmem>> -> memref<128xf32, #tpu.memory_space<vmem>>
        %dma_start3A_300 = arith.constant 0 : i32
        %dma_start3A_301 = tpu.memref_slice %arg15[%dma_start3A_297, %dma_start3A_300] : memref<40x128xi32, #tpu.memory_space<vmem>> -> memref<1x128xi32, #tpu.memory_space<vmem>>
        %dma_start3A_302 = tpu.memref_squeeze %dma_start3A_301 : memref<1x128xi32, #tpu.memory_space<vmem>> -> memref<128xi32, #tpu.memory_space<vmem>>
        %dma_start3A_303 = arith.constant 0 : i32
        %dma_start3A_304 = tpu.memref_slice %arg7[%dma_start3A_303] : memref<1600000xf32, #tpu.memory_space<vmem_shared>> -> memref<1600000xf32, #tpu.memory_space<vmem_shared>>
        tpu.enqueue_indirect_dma source(%dma_start3A_299 : memref<128xf32, #tpu.memory_space<vmem>>) target(%dma_start3A_304 : memref<1600000xf32, #tpu.memory_space<vmem_shared>>) offsets(%dma_start3A_302 : memref<128xi32, #tpu.memory_space<vmem>>) semaphore(%arg17 : memref<!tpu.dma_semaphore, #tpu.memory_space<semaphore_mem>>) {add = true}
        %dma_start3A_305 = arith.constant 18 : i32
        %dma_start3A_306 = arith.constant 2304 : i32
        %dma_start3A_307 = tpu.memref_slice %arg14[%dma_start3A_306] : memref<5120xf32, #tpu.memory_space<vmem>> -> memref<128xf32, #tpu.memory_space<vmem>>
        %dma_start3A_308 = arith.constant 0 : i32
        %dma_start3A_309 = tpu.memref_slice %arg15[%dma_start3A_305, %dma_start3A_308] : memref<40x128xi32, #tpu.memory_space<vmem>> -> memref<1x128xi32, #tpu.memory_space<vmem>>
        %dma_start3A_310 = tpu.memref_squeeze %dma_start3A_309 : memref<1x128xi32, #tpu.memory_space<vmem>> -> memref<128xi32, #tpu.memory_space<vmem>>
        %dma_start3A_311 = arith.constant 0 : i32
        %dma_start3A_312 = tpu.memref_slice %arg7[%dma_start3A_311] : memref<1600000xf32, #tpu.memory_space<vmem_shared>> -> memref<1600000xf32, #tpu.memory_space<vmem_shared>>
        tpu.enqueue_indirect_dma source(%dma_start3A_307 : memref<128xf32, #tpu.memory_space<vmem>>) target(%dma_start3A_312 : memref<1600000xf32, #tpu.memory_space<vmem_shared>>) offsets(%dma_start3A_310 : memref<128xi32, #tpu.memory_space<vmem>>) semaphore(%arg17 : memref<!tpu.dma_semaphore, #tpu.memory_space<semaphore_mem>>) {add = true}
        %dma_start3A_313 = arith.constant 19 : i32
        %dma_start3A_314 = arith.constant 2432 : i32
        %dma_start3A_315 = tpu.memref_slice %arg14[%dma_start3A_314] : memref<5120xf32, #tpu.memory_space<vmem>> -> memref<128xf32, #tpu.memory_space<vmem>>
        %dma_start3A_316 = arith.constant 0 : i32
        %dma_start3A_317 = tpu.memref_slice %arg15[%dma_start3A_313, %dma_start3A_316] : memref<40x128xi32, #tpu.memory_space<vmem>> -> memref<1x128xi32, #tpu.memory_space<vmem>>
        %dma_start3A_318 = tpu.memref_squeeze %dma_start3A_317 : memref<1x128xi32, #tpu.memory_space<vmem>> -> memref<128xi32, #tpu.memory_space<vmem>>
        %dma_start3A_319 = arith.constant 0 : i32
        %dma_start3A_320 = tpu.memref_slice %arg7[%dma_start3A_319] : memref<1600000xf32, #tpu.memory_space<vmem_shared>> -> memref<1600000xf32, #tpu.memory_space<vmem_shared>>
        tpu.enqueue_indirect_dma source(%dma_start3A_315 : memref<128xf32, #tpu.memory_space<vmem>>) target(%dma_start3A_320 : memref<1600000xf32, #tpu.memory_space<vmem_shared>>) offsets(%dma_start3A_318 : memref<128xi32, #tpu.memory_space<vmem>>) semaphore(%arg17 : memref<!tpu.dma_semaphore, #tpu.memory_space<semaphore_mem>>) {add = true}
        %dma_start3A_321 = arith.constant 20 : i32
        %dma_start3A_322 = arith.constant 2560 : i32
        %dma_start3A_323 = tpu.memref_slice %arg14[%dma_start3A_322] : memref<5120xf32, #tpu.memory_space<vmem>> -> memref<128xf32, #tpu.memory_space<vmem>>
        %dma_start3A_324 = arith.constant 0 : i32
        %dma_start3A_325 = tpu.memref_slice %arg15[%dma_start3A_321, %dma_start3A_324] : memref<40x128xi32, #tpu.memory_space<vmem>> -> memref<1x128xi32, #tpu.memory_space<vmem>>
        %dma_start3A_326 = tpu.memref_squeeze %dma_start3A_325 : memref<1x128xi32, #tpu.memory_space<vmem>> -> memref<128xi32, #tpu.memory_space<vmem>>
        %dma_start3A_327 = arith.constant 0 : i32
        %dma_start3A_328 = tpu.memref_slice %arg7[%dma_start3A_327] : memref<1600000xf32, #tpu.memory_space<vmem_shared>> -> memref<1600000xf32, #tpu.memory_space<vmem_shared>>
        tpu.enqueue_indirect_dma source(%dma_start3A_323 : memref<128xf32, #tpu.memory_space<vmem>>) target(%dma_start3A_328 : memref<1600000xf32, #tpu.memory_space<vmem_shared>>) offsets(%dma_start3A_326 : memref<128xi32, #tpu.memory_space<vmem>>) semaphore(%arg17 : memref<!tpu.dma_semaphore, #tpu.memory_space<semaphore_mem>>) {add = true}
        %dma_start3A_329 = arith.constant 21 : i32
        %dma_start3A_330 = arith.constant 2688 : i32
        %dma_start3A_331 = tpu.memref_slice %arg14[%dma_start3A_330] : memref<5120xf32, #tpu.memory_space<vmem>> -> memref<128xf32, #tpu.memory_space<vmem>>
        %dma_start3A_332 = arith.constant 0 : i32
        %dma_start3A_333 = tpu.memref_slice %arg15[%dma_start3A_329, %dma_start3A_332] : memref<40x128xi32, #tpu.memory_space<vmem>> -> memref<1x128xi32, #tpu.memory_space<vmem>>
        %dma_start3A_334 = tpu.memref_squeeze %dma_start3A_333 : memref<1x128xi32, #tpu.memory_space<vmem>> -> memref<128xi32, #tpu.memory_space<vmem>>
        %dma_start3A_335 = arith.constant 0 : i32
        %dma_start3A_336 = tpu.memref_slice %arg7[%dma_start3A_335] : memref<1600000xf32, #tpu.memory_space<vmem_shared>> -> memref<1600000xf32, #tpu.memory_space<vmem_shared>>
        tpu.enqueue_indirect_dma source(%dma_start3A_331 : memref<128xf32, #tpu.memory_space<vmem>>) target(%dma_start3A_336 : memref<1600000xf32, #tpu.memory_space<vmem_shared>>) offsets(%dma_start3A_334 : memref<128xi32, #tpu.memory_space<vmem>>) semaphore(%arg17 : memref<!tpu.dma_semaphore, #tpu.memory_space<semaphore_mem>>) {add = true}
        %dma_start3A_337 = arith.constant 22 : i32
        %dma_start3A_338 = arith.constant 2816 : i32
        %dma_start3A_339 = tpu.memref_slice %arg14[%dma_start3A_338] : memref<5120xf32, #tpu.memory_space<vmem>> -> memref<128xf32, #tpu.memory_space<vmem>>
        %dma_start3A_340 = arith.constant 0 : i32
        %dma_start3A_341 = tpu.memref_slice %arg15[%dma_start3A_337, %dma_start3A_340] : memref<40x128xi32, #tpu.memory_space<vmem>> -> memref<1x128xi32, #tpu.memory_space<vmem>>
        %dma_start3A_342 = tpu.memref_squeeze %dma_start3A_341 : memref<1x128xi32, #tpu.memory_space<vmem>> -> memref<128xi32, #tpu.memory_space<vmem>>
        %dma_start3A_343 = arith.constant 0 : i32
        %dma_start3A_344 = tpu.memref_slice %arg7[%dma_start3A_343] : memref<1600000xf32, #tpu.memory_space<vmem_shared>> -> memref<1600000xf32, #tpu.memory_space<vmem_shared>>
        tpu.enqueue_indirect_dma source(%dma_start3A_339 : memref<128xf32, #tpu.memory_space<vmem>>) target(%dma_start3A_344 : memref<1600000xf32, #tpu.memory_space<vmem_shared>>) offsets(%dma_start3A_342 : memref<128xi32, #tpu.memory_space<vmem>>) semaphore(%arg17 : memref<!tpu.dma_semaphore, #tpu.memory_space<semaphore_mem>>) {add = true}
        %dma_start3A_345 = arith.constant 23 : i32
        %dma_start3A_346 = arith.constant 2944 : i32
        %dma_start3A_347 = tpu.memref_slice %arg14[%dma_start3A_346] : memref<5120xf32, #tpu.memory_space<vmem>> -> memref<128xf32, #tpu.memory_space<vmem>>
        %dma_start3A_348 = arith.constant 0 : i32
        %dma_start3A_349 = tpu.memref_slice %arg15[%dma_start3A_345, %dma_start3A_348] : memref<40x128xi32, #tpu.memory_space<vmem>> -> memref<1x128xi32, #tpu.memory_space<vmem>>
        %dma_start3A_350 = tpu.memref_squeeze %dma_start3A_349 : memref<1x128xi32, #tpu.memory_space<vmem>> -> memref<128xi32, #tpu.memory_space<vmem>>
        %dma_start3A_351 = arith.constant 0 : i32
        %dma_start3A_352 = tpu.memref_slice %arg7[%dma_start3A_351] : memref<1600000xf32, #tpu.memory_space<vmem_shared>> -> memref<1600000xf32, #tpu.memory_space<vmem_shared>>
        tpu.enqueue_indirect_dma source(%dma_start3A_347 : memref<128xf32, #tpu.memory_space<vmem>>) target(%dma_start3A_352 : memref<1600000xf32, #tpu.memory_space<vmem_shared>>) offsets(%dma_start3A_350 : memref<128xi32, #tpu.memory_space<vmem>>) semaphore(%arg17 : memref<!tpu.dma_semaphore, #tpu.memory_space<semaphore_mem>>) {add = true}
        %dma_start3A_353 = arith.constant 24 : i32
        %dma_start3A_354 = arith.constant 3072 : i32
        %dma_start3A_355 = tpu.memref_slice %arg14[%dma_start3A_354] : memref<5120xf32, #tpu.memory_space<vmem>> -> memref<128xf32, #tpu.memory_space<vmem>>
        %dma_start3A_356 = arith.constant 0 : i32
        %dma_start3A_357 = tpu.memref_slice %arg15[%dma_start3A_353, %dma_start3A_356] : memref<40x128xi32, #tpu.memory_space<vmem>> -> memref<1x128xi32, #tpu.memory_space<vmem>>
        %dma_start3A_358 = tpu.memref_squeeze %dma_start3A_357 : memref<1x128xi32, #tpu.memory_space<vmem>> -> memref<128xi32, #tpu.memory_space<vmem>>
        %dma_start3A_359 = arith.constant 0 : i32
        %dma_start3A_360 = tpu.memref_slice %arg7[%dma_start3A_359] : memref<1600000xf32, #tpu.memory_space<vmem_shared>> -> memref<1600000xf32, #tpu.memory_space<vmem_shared>>
        tpu.enqueue_indirect_dma source(%dma_start3A_355 : memref<128xf32, #tpu.memory_space<vmem>>) target(%dma_start3A_360 : memref<1600000xf32, #tpu.memory_space<vmem_shared>>) offsets(%dma_start3A_358 : memref<128xi32, #tpu.memory_space<vmem>>) semaphore(%arg17 : memref<!tpu.dma_semaphore, #tpu.memory_space<semaphore_mem>>) {add = true}
        %dma_start3A_361 = arith.constant 25 : i32
        %dma_start3A_362 = arith.constant 3200 : i32
        %dma_start3A_363 = tpu.memref_slice %arg14[%dma_start3A_362] : memref<5120xf32, #tpu.memory_space<vmem>> -> memref<128xf32, #tpu.memory_space<vmem>>
        %dma_start3A_364 = arith.constant 0 : i32
        %dma_start3A_365 = tpu.memref_slice %arg15[%dma_start3A_361, %dma_start3A_364] : memref<40x128xi32, #tpu.memory_space<vmem>> -> memref<1x128xi32, #tpu.memory_space<vmem>>
        %dma_start3A_366 = tpu.memref_squeeze %dma_start3A_365 : memref<1x128xi32, #tpu.memory_space<vmem>> -> memref<128xi32, #tpu.memory_space<vmem>>
        %dma_start3A_367 = arith.constant 0 : i32
        %dma_start3A_368 = tpu.memref_slice %arg7[%dma_start3A_367] : memref<1600000xf32, #tpu.memory_space<vmem_shared>> -> memref<1600000xf32, #tpu.memory_space<vmem_shared>>
        tpu.enqueue_indirect_dma source(%dma_start3A_363 : memref<128xf32, #tpu.memory_space<vmem>>) target(%dma_start3A_368 : memref<1600000xf32, #tpu.memory_space<vmem_shared>>) offsets(%dma_start3A_366 : memref<128xi32, #tpu.memory_space<vmem>>) semaphore(%arg17 : memref<!tpu.dma_semaphore, #tpu.memory_space<semaphore_mem>>) {add = true}
        %dma_start3A_369 = arith.constant 26 : i32
        %dma_start3A_370 = arith.constant 3328 : i32
        %dma_start3A_371 = tpu.memref_slice %arg14[%dma_start3A_370] : memref<5120xf32, #tpu.memory_space<vmem>> -> memref<128xf32, #tpu.memory_space<vmem>>
        %dma_start3A_372 = arith.constant 0 : i32
        %dma_start3A_373 = tpu.memref_slice %arg15[%dma_start3A_369, %dma_start3A_372] : memref<40x128xi32, #tpu.memory_space<vmem>> -> memref<1x128xi32, #tpu.memory_space<vmem>>
        %dma_start3A_374 = tpu.memref_squeeze %dma_start3A_373 : memref<1x128xi32, #tpu.memory_space<vmem>> -> memref<128xi32, #tpu.memory_space<vmem>>
        %dma_start3A_375 = arith.constant 0 : i32
        %dma_start3A_376 = tpu.memref_slice %arg7[%dma_start3A_375] : memref<1600000xf32, #tpu.memory_space<vmem_shared>> -> memref<1600000xf32, #tpu.memory_space<vmem_shared>>
        tpu.enqueue_indirect_dma source(%dma_start3A_371 : memref<128xf32, #tpu.memory_space<vmem>>) target(%dma_start3A_376 : memref<1600000xf32, #tpu.memory_space<vmem_shared>>) offsets(%dma_start3A_374 : memref<128xi32, #tpu.memory_space<vmem>>) semaphore(%arg17 : memref<!tpu.dma_semaphore, #tpu.memory_space<semaphore_mem>>) {add = true}
        %dma_start3A_377 = arith.constant 27 : i32
        %dma_start3A_378 = arith.constant 3456 : i32
        %dma_start3A_379 = tpu.memref_slice %arg14[%dma_start3A_378] : memref<5120xf32, #tpu.memory_space<vmem>> -> memref<128xf32, #tpu.memory_space<vmem>>
        %dma_start3A_380 = arith.constant 0 : i32
        %dma_start3A_381 = tpu.memref_slice %arg15[%dma_start3A_377, %dma_start3A_380] : memref<40x128xi32, #tpu.memory_space<vmem>> -> memref<1x128xi32, #tpu.memory_space<vmem>>
        %dma_start3A_382 = tpu.memref_squeeze %dma_start3A_381 : memref<1x128xi32, #tpu.memory_space<vmem>> -> memref<128xi32, #tpu.memory_space<vmem>>
        %dma_start3A_383 = arith.constant 0 : i32
        %dma_start3A_384 = tpu.memref_slice %arg7[%dma_start3A_383] : memref<1600000xf32, #tpu.memory_space<vmem_shared>> -> memref<1600000xf32, #tpu.memory_space<vmem_shared>>
        tpu.enqueue_indirect_dma source(%dma_start3A_379 : memref<128xf32, #tpu.memory_space<vmem>>) target(%dma_start3A_384 : memref<1600000xf32, #tpu.memory_space<vmem_shared>>) offsets(%dma_start3A_382 : memref<128xi32, #tpu.memory_space<vmem>>) semaphore(%arg17 : memref<!tpu.dma_semaphore, #tpu.memory_space<semaphore_mem>>) {add = true}
        %dma_start3A_385 = arith.constant 28 : i32
        %dma_start3A_386 = arith.constant 3584 : i32
        %dma_start3A_387 = tpu.memref_slice %arg14[%dma_start3A_386] : memref<5120xf32, #tpu.memory_space<vmem>> -> memref<128xf32, #tpu.memory_space<vmem>>
        %dma_start3A_388 = arith.constant 0 : i32
        %dma_start3A_389 = tpu.memref_slice %arg15[%dma_start3A_385, %dma_start3A_388] : memref<40x128xi32, #tpu.memory_space<vmem>> -> memref<1x128xi32, #tpu.memory_space<vmem>>
        %dma_start3A_390 = tpu.memref_squeeze %dma_start3A_389 : memref<1x128xi32, #tpu.memory_space<vmem>> -> memref<128xi32, #tpu.memory_space<vmem>>
        %dma_start3A_391 = arith.constant 0 : i32
        %dma_start3A_392 = tpu.memref_slice %arg7[%dma_start3A_391] : memref<1600000xf32, #tpu.memory_space<vmem_shared>> -> memref<1600000xf32, #tpu.memory_space<vmem_shared>>
        tpu.enqueue_indirect_dma source(%dma_start3A_387 : memref<128xf32, #tpu.memory_space<vmem>>) target(%dma_start3A_392 : memref<1600000xf32, #tpu.memory_space<vmem_shared>>) offsets(%dma_start3A_390 : memref<128xi32, #tpu.memory_space<vmem>>) semaphore(%arg17 : memref<!tpu.dma_semaphore, #tpu.memory_space<semaphore_mem>>) {add = true}
        %dma_start3A_393 = arith.constant 29 : i32
        %dma_start3A_394 = arith.constant 3712 : i32
        %dma_start3A_395 = tpu.memref_slice %arg14[%dma_start3A_394] : memref<5120xf32, #tpu.memory_space<vmem>> -> memref<128xf32, #tpu.memory_space<vmem>>
        %dma_start3A_396 = arith.constant 0 : i32
        %dma_start3A_397 = tpu.memref_slice %arg15[%dma_start3A_393, %dma_start3A_396] : memref<40x128xi32, #tpu.memory_space<vmem>> -> memref<1x128xi32, #tpu.memory_space<vmem>>
        %dma_start3A_398 = tpu.memref_squeeze %dma_start3A_397 : memref<1x128xi32, #tpu.memory_space<vmem>> -> memref<128xi32, #tpu.memory_space<vmem>>
        %dma_start3A_399 = arith.constant 0 : i32
        %dma_start3A_400 = tpu.memref_slice %arg7[%dma_start3A_399] : memref<1600000xf32, #tpu.memory_space<vmem_shared>> -> memref<1600000xf32, #tpu.memory_space<vmem_shared>>
        tpu.enqueue_indirect_dma source(%dma_start3A_395 : memref<128xf32, #tpu.memory_space<vmem>>) target(%dma_start3A_400 : memref<1600000xf32, #tpu.memory_space<vmem_shared>>) offsets(%dma_start3A_398 : memref<128xi32, #tpu.memory_space<vmem>>) semaphore(%arg17 : memref<!tpu.dma_semaphore, #tpu.memory_space<semaphore_mem>>) {add = true}
        %dma_start3A_401 = arith.constant 30 : i32
        %dma_start3A_402 = arith.constant 3840 : i32
        %dma_start3A_403 = tpu.memref_slice %arg14[%dma_start3A_402] : memref<5120xf32, #tpu.memory_space<vmem>> -> memref<128xf32, #tpu.memory_space<vmem>>
        %dma_start3A_404 = arith.constant 0 : i32
        %dma_start3A_405 = tpu.memref_slice %arg15[%dma_start3A_401, %dma_start3A_404] : memref<40x128xi32, #tpu.memory_space<vmem>> -> memref<1x128xi32, #tpu.memory_space<vmem>>
        %dma_start3A_406 = tpu.memref_squeeze %dma_start3A_405 : memref<1x128xi32, #tpu.memory_space<vmem>> -> memref<128xi32, #tpu.memory_space<vmem>>
        %dma_start3A_407 = arith.constant 0 : i32
        %dma_start3A_408 = tpu.memref_slice %arg7[%dma_start3A_407] : memref<1600000xf32, #tpu.memory_space<vmem_shared>> -> memref<1600000xf32, #tpu.memory_space<vmem_shared>>
        tpu.enqueue_indirect_dma source(%dma_start3A_403 : memref<128xf32, #tpu.memory_space<vmem>>) target(%dma_start3A_408 : memref<1600000xf32, #tpu.memory_space<vmem_shared>>) offsets(%dma_start3A_406 : memref<128xi32, #tpu.memory_space<vmem>>) semaphore(%arg17 : memref<!tpu.dma_semaphore, #tpu.memory_space<semaphore_mem>>) {add = true}
        %dma_start3A_409 = arith.constant 31 : i32
        %dma_start3A_410 = arith.constant 3968 : i32
        %dma_start3A_411 = tpu.memref_slice %arg14[%dma_start3A_410] : memref<5120xf32, #tpu.memory_space<vmem>> -> memref<128xf32, #tpu.memory_space<vmem>>
        %dma_start3A_412 = arith.constant 0 : i32
        %dma_start3A_413 = tpu.memref_slice %arg15[%dma_start3A_409, %dma_start3A_412] : memref<40x128xi32, #tpu.memory_space<vmem>> -> memref<1x128xi32, #tpu.memory_space<vmem>>
        %dma_start3A_414 = tpu.memref_squeeze %dma_start3A_413 : memref<1x128xi32, #tpu.memory_space<vmem>> -> memref<128xi32, #tpu.memory_space<vmem>>
        %dma_start3A_415 = arith.constant 0 : i32
        %dma_start3A_416 = tpu.memref_slice %arg7[%dma_start3A_415] : memref<1600000xf32, #tpu.memory_space<vmem_shared>> -> memref<1600000xf32, #tpu.memory_space<vmem_shared>>
        tpu.enqueue_indirect_dma source(%dma_start3A_411 : memref<128xf32, #tpu.memory_space<vmem>>) target(%dma_start3A_416 : memref<1600000xf32, #tpu.memory_space<vmem_shared>>) offsets(%dma_start3A_414 : memref<128xi32, #tpu.memory_space<vmem>>) semaphore(%arg17 : memref<!tpu.dma_semaphore, #tpu.memory_space<semaphore_mem>>) {add = true}
        %dma_start3A_417 = arith.constant 32 : i32
        %dma_start3A_418 = arith.constant 4096 : i32
        %dma_start3A_419 = tpu.memref_slice %arg14[%dma_start3A_418] : memref<5120xf32, #tpu.memory_space<vmem>> -> memref<128xf32, #tpu.memory_space<vmem>>
        %dma_start3A_420 = arith.constant 0 : i32
        %dma_start3A_421 = tpu.memref_slice %arg15[%dma_start3A_417, %dma_start3A_420] : memref<40x128xi32, #tpu.memory_space<vmem>> -> memref<1x128xi32, #tpu.memory_space<vmem>>
        %dma_start3A_422 = tpu.memref_squeeze %dma_start3A_421 : memref<1x128xi32, #tpu.memory_space<vmem>> -> memref<128xi32, #tpu.memory_space<vmem>>
        %dma_start3A_423 = arith.constant 0 : i32
        %dma_start3A_424 = tpu.memref_slice %arg7[%dma_start3A_423] : memref<1600000xf32, #tpu.memory_space<vmem_shared>> -> memref<1600000xf32, #tpu.memory_space<vmem_shared>>
        tpu.enqueue_indirect_dma source(%dma_start3A_419 : memref<128xf32, #tpu.memory_space<vmem>>) target(%dma_start3A_424 : memref<1600000xf32, #tpu.memory_space<vmem_shared>>) offsets(%dma_start3A_422 : memref<128xi32, #tpu.memory_space<vmem>>) semaphore(%arg17 : memref<!tpu.dma_semaphore, #tpu.memory_space<semaphore_mem>>) {add = true}
        %dma_start3A_425 = arith.constant 33 : i32
        %dma_start3A_426 = arith.constant 4224 : i32
        %dma_start3A_427 = tpu.memref_slice %arg14[%dma_start3A_426] : memref<5120xf32, #tpu.memory_space<vmem>> -> memref<128xf32, #tpu.memory_space<vmem>>
        %dma_start3A_428 = arith.constant 0 : i32
        %dma_start3A_429 = tpu.memref_slice %arg15[%dma_start3A_425, %dma_start3A_428] : memref<40x128xi32, #tpu.memory_space<vmem>> -> memref<1x128xi32, #tpu.memory_space<vmem>>
        %dma_start3A_430 = tpu.memref_squeeze %dma_start3A_429 : memref<1x128xi32, #tpu.memory_space<vmem>> -> memref<128xi32, #tpu.memory_space<vmem>>
        %dma_start3A_431 = arith.constant 0 : i32
        %dma_start3A_432 = tpu.memref_slice %arg7[%dma_start3A_431] : memref<1600000xf32, #tpu.memory_space<vmem_shared>> -> memref<1600000xf32, #tpu.memory_space<vmem_shared>>
        tpu.enqueue_indirect_dma source(%dma_start3A_427 : memref<128xf32, #tpu.memory_space<vmem>>) target(%dma_start3A_432 : memref<1600000xf32, #tpu.memory_space<vmem_shared>>) offsets(%dma_start3A_430 : memref<128xi32, #tpu.memory_space<vmem>>) semaphore(%arg17 : memref<!tpu.dma_semaphore, #tpu.memory_space<semaphore_mem>>) {add = true}
        %dma_start3A_433 = arith.constant 34 : i32
        %dma_start3A_434 = arith.constant 4352 : i32
        %dma_start3A_435 = tpu.memref_slice %arg14[%dma_start3A_434] : memref<5120xf32, #tpu.memory_space<vmem>> -> memref<128xf32, #tpu.memory_space<vmem>>
        %dma_start3A_436 = arith.constant 0 : i32
        %dma_start3A_437 = tpu.memref_slice %arg15[%dma_start3A_433, %dma_start3A_436] : memref<40x128xi32, #tpu.memory_space<vmem>> -> memref<1x128xi32, #tpu.memory_space<vmem>>
        %dma_start3A_438 = tpu.memref_squeeze %dma_start3A_437 : memref<1x128xi32, #tpu.memory_space<vmem>> -> memref<128xi32, #tpu.memory_space<vmem>>
        %dma_start3A_439 = arith.constant 0 : i32
        %dma_start3A_440 = tpu.memref_slice %arg7[%dma_start3A_439] : memref<1600000xf32, #tpu.memory_space<vmem_shared>> -> memref<1600000xf32, #tpu.memory_space<vmem_shared>>
        tpu.enqueue_indirect_dma source(%dma_start3A_435 : memref<128xf32, #tpu.memory_space<vmem>>) target(%dma_start3A_440 : memref<1600000xf32, #tpu.memory_space<vmem_shared>>) offsets(%dma_start3A_438 : memref<128xi32, #tpu.memory_space<vmem>>) semaphore(%arg17 : memref<!tpu.dma_semaphore, #tpu.memory_space<semaphore_mem>>) {add = true}
        %dma_start3A_441 = arith.constant 35 : i32
        %dma_start3A_442 = arith.constant 4480 : i32
        %dma_start3A_443 = tpu.memref_slice %arg14[%dma_start3A_442] : memref<5120xf32, #tpu.memory_space<vmem>> -> memref<128xf32, #tpu.memory_space<vmem>>
        %dma_start3A_444 = arith.constant 0 : i32
        %dma_start3A_445 = tpu.memref_slice %arg15[%dma_start3A_441, %dma_start3A_444] : memref<40x128xi32, #tpu.memory_space<vmem>> -> memref<1x128xi32, #tpu.memory_space<vmem>>
        %dma_start3A_446 = tpu.memref_squeeze %dma_start3A_445 : memref<1x128xi32, #tpu.memory_space<vmem>> -> memref<128xi32, #tpu.memory_space<vmem>>
        %dma_start3A_447 = arith.constant 0 : i32
        %dma_start3A_448 = tpu.memref_slice %arg7[%dma_start3A_447] : memref<1600000xf32, #tpu.memory_space<vmem_shared>> -> memref<1600000xf32, #tpu.memory_space<vmem_shared>>
        tpu.enqueue_indirect_dma source(%dma_start3A_443 : memref<128xf32, #tpu.memory_space<vmem>>) target(%dma_start3A_448 : memref<1600000xf32, #tpu.memory_space<vmem_shared>>) offsets(%dma_start3A_446 : memref<128xi32, #tpu.memory_space<vmem>>) semaphore(%arg17 : memref<!tpu.dma_semaphore, #tpu.memory_space<semaphore_mem>>) {add = true}
        %dma_start3A_449 = arith.constant 36 : i32
        %dma_start3A_450 = arith.constant 4608 : i32
        %dma_start3A_451 = tpu.memref_slice %arg14[%dma_start3A_450] : memref<5120xf32, #tpu.memory_space<vmem>> -> memref<128xf32, #tpu.memory_space<vmem>>
        %dma_start3A_452 = arith.constant 0 : i32
        %dma_start3A_453 = tpu.memref_slice %arg15[%dma_start3A_449, %dma_start3A_452] : memref<40x128xi32, #tpu.memory_space<vmem>> -> memref<1x128xi32, #tpu.memory_space<vmem>>
        %dma_start3A_454 = tpu.memref_squeeze %dma_start3A_453 : memref<1x128xi32, #tpu.memory_space<vmem>> -> memref<128xi32, #tpu.memory_space<vmem>>
        %dma_start3A_455 = arith.constant 0 : i32
        %dma_start3A_456 = tpu.memref_slice %arg7[%dma_start3A_455] : memref<1600000xf32, #tpu.memory_space<vmem_shared>> -> memref<1600000xf32, #tpu.memory_space<vmem_shared>>
        tpu.enqueue_indirect_dma source(%dma_start3A_451 : memref<128xf32, #tpu.memory_space<vmem>>) target(%dma_start3A_456 : memref<1600000xf32, #tpu.memory_space<vmem_shared>>) offsets(%dma_start3A_454 : memref<128xi32, #tpu.memory_space<vmem>>) semaphore(%arg17 : memref<!tpu.dma_semaphore, #tpu.memory_space<semaphore_mem>>) {add = true}
        %dma_start3A_457 = arith.constant 37 : i32
        %dma_start3A_458 = arith.constant 4736 : i32
        %dma_start3A_459 = tpu.memref_slice %arg14[%dma_start3A_458] : memref<5120xf32, #tpu.memory_space<vmem>> -> memref<128xf32, #tpu.memory_space<vmem>>
        %dma_start3A_460 = arith.constant 0 : i32
        %dma_start3A_461 = tpu.memref_slice %arg15[%dma_start3A_457, %dma_start3A_460] : memref<40x128xi32, #tpu.memory_space<vmem>> -> memref<1x128xi32, #tpu.memory_space<vmem>>
        %dma_start3A_462 = tpu.memref_squeeze %dma_start3A_461 : memref<1x128xi32, #tpu.memory_space<vmem>> -> memref<128xi32, #tpu.memory_space<vmem>>
        %dma_start3A_463 = arith.constant 0 : i32
        %dma_start3A_464 = tpu.memref_slice %arg7[%dma_start3A_463] : memref<1600000xf32, #tpu.memory_space<vmem_shared>> -> memref<1600000xf32, #tpu.memory_space<vmem_shared>>
        tpu.enqueue_indirect_dma source(%dma_start3A_459 : memref<128xf32, #tpu.memory_space<vmem>>) target(%dma_start3A_464 : memref<1600000xf32, #tpu.memory_space<vmem_shared>>) offsets(%dma_start3A_462 : memref<128xi32, #tpu.memory_space<vmem>>) semaphore(%arg17 : memref<!tpu.dma_semaphore, #tpu.memory_space<semaphore_mem>>) {add = true}
        %dma_start3A_465 = arith.constant 38 : i32
        %dma_start3A_466 = arith.constant 4864 : i32
        %dma_start3A_467 = tpu.memref_slice %arg14[%dma_start3A_466] : memref<5120xf32, #tpu.memory_space<vmem>> -> memref<128xf32, #tpu.memory_space<vmem>>
        %dma_start3A_468 = arith.constant 0 : i32
        %dma_start3A_469 = tpu.memref_slice %arg15[%dma_start3A_465, %dma_start3A_468] : memref<40x128xi32, #tpu.memory_space<vmem>> -> memref<1x128xi32, #tpu.memory_space<vmem>>
        %dma_start3A_470 = tpu.memref_squeeze %dma_start3A_469 : memref<1x128xi32, #tpu.memory_space<vmem>> -> memref<128xi32, #tpu.memory_space<vmem>>
        %dma_start3A_471 = arith.constant 0 : i32
        %dma_start3A_472 = tpu.memref_slice %arg7[%dma_start3A_471] : memref<1600000xf32, #tpu.memory_space<vmem_shared>> -> memref<1600000xf32, #tpu.memory_space<vmem_shared>>
        tpu.enqueue_indirect_dma source(%dma_start3A_467 : memref<128xf32, #tpu.memory_space<vmem>>) target(%dma_start3A_472 : memref<1600000xf32, #tpu.memory_space<vmem_shared>>) offsets(%dma_start3A_470 : memref<128xi32, #tpu.memory_space<vmem>>) semaphore(%arg17 : memref<!tpu.dma_semaphore, #tpu.memory_space<semaphore_mem>>) {add = true}
        %dma_start3A_473 = arith.constant 39 : i32
        %dma_start3A_474 = arith.constant 4992 : i32
        %dma_start3A_475 = tpu.memref_slice %arg14[%dma_start3A_474] : memref<5120xf32, #tpu.memory_space<vmem>> -> memref<128xf32, #tpu.memory_space<vmem>>
        %dma_start3A_476 = arith.constant 0 : i32
        %dma_start3A_477 = tpu.memref_slice %arg15[%dma_start3A_473, %dma_start3A_476] : memref<40x128xi32, #tpu.memory_space<vmem>> -> memref<1x128xi32, #tpu.memory_space<vmem>>
        %dma_start3A_478 = tpu.memref_squeeze %dma_start3A_477 : memref<1x128xi32, #tpu.memory_space<vmem>> -> memref<128xi32, #tpu.memory_space<vmem>>
        %dma_start3A_479 = arith.constant 0 : i32
        %dma_start3A_480 = tpu.memref_slice %arg7[%dma_start3A_479] : memref<1600000xf32, #tpu.memory_space<vmem_shared>> -> memref<1600000xf32, #tpu.memory_space<vmem_shared>>
        tpu.enqueue_indirect_dma source(%dma_start3A_475 : memref<128xf32, #tpu.memory_space<vmem>>) target(%dma_start3A_480 : memref<1600000xf32, #tpu.memory_space<vmem_shared>>) offsets(%dma_start3A_478 : memref<128xi32, #tpu.memory_space<vmem>>) semaphore(%arg17 : memref<!tpu.dma_semaphore, #tpu.memory_space<semaphore_mem>>) {add = true}
        %dma_wait3A_481 = arith.constant 0 : i32
        %dma_wait3A_482 = arith.constant 0 : i32
        %dma_wait3A_483 = tpu.memref_slice %arg14[%dma_wait3A_482] : memref<5120xf32, #tpu.memory_space<vmem>> -> memref<128xf32, #tpu.memory_space<vmem>>
        %dma_wait3A_484 = arith.constant 0 : i32
        %dma_wait3A_485 = tpu.memref_slice %arg15[%dma_wait3A_481, %dma_wait3A_484] : memref<40x128xi32, #tpu.memory_space<vmem>> -> memref<1x128xi32, #tpu.memory_space<vmem>>
        %dma_wait3A_486 = tpu.memref_squeeze %dma_wait3A_485 : memref<1x128xi32, #tpu.memory_space<vmem>> -> memref<128xi32, #tpu.memory_space<vmem>>
        %dma_wait3A_487 = arith.constant 0 : i32
        %dma_wait3A_488 = tpu.memref_slice %arg7[%dma_wait3A_487] : memref<1600000xf32, #tpu.memory_space<vmem_shared>> -> memref<1600000xf32, #tpu.memory_space<vmem_shared>>
        tpu.wait_indirect_dma semaphore(%arg17 : memref<!tpu.dma_semaphore, #tpu.memory_space<semaphore_mem>>) src(%dma_wait3A_483 : memref<128xf32, #tpu.memory_space<vmem>>) dst(%dma_wait3A_488 : memref<1600000xf32, #tpu.memory_space<vmem_shared>>)
        %dma_wait3A_489 = arith.constant 1 : i32
        %dma_wait3A_490 = arith.constant 128 : i32
        %dma_wait3A_491 = tpu.memref_slice %arg14[%dma_wait3A_490] : memref<5120xf32, #tpu.memory_space<vmem>> -> memref<128xf32, #tpu.memory_space<vmem>>
        %dma_wait3A_492 = arith.constant 0 : i32
        %dma_wait3A_493 = tpu.memref_slice %arg15[%dma_wait3A_489, %dma_wait3A_492] : memref<40x128xi32, #tpu.memory_space<vmem>> -> memref<1x128xi32, #tpu.memory_space<vmem>>
        %dma_wait3A_494 = tpu.memref_squeeze %dma_wait3A_493 : memref<1x128xi32, #tpu.memory_space<vmem>> -> memref<128xi32, #tpu.memory_space<vmem>>
        %dma_wait3A_495 = arith.constant 0 : i32
        %dma_wait3A_496 = tpu.memref_slice %arg7[%dma_wait3A_495] : memref<1600000xf32, #tpu.memory_space<vmem_shared>> -> memref<1600000xf32, #tpu.memory_space<vmem_shared>>
        tpu.wait_indirect_dma semaphore(%arg17 : memref<!tpu.dma_semaphore, #tpu.memory_space<semaphore_mem>>) src(%dma_wait3A_491 : memref<128xf32, #tpu.memory_space<vmem>>) dst(%dma_wait3A_496 : memref<1600000xf32, #tpu.memory_space<vmem_shared>>)
        %dma_wait3A_497 = arith.constant 2 : i32
        %dma_wait3A_498 = arith.constant 256 : i32
        %dma_wait3A_499 = tpu.memref_slice %arg14[%dma_wait3A_498] : memref<5120xf32, #tpu.memory_space<vmem>> -> memref<128xf32, #tpu.memory_space<vmem>>
        %dma_wait3A_500 = arith.constant 0 : i32
        %dma_wait3A_501 = tpu.memref_slice %arg15[%dma_wait3A_497, %dma_wait3A_500] : memref<40x128xi32, #tpu.memory_space<vmem>> -> memref<1x128xi32, #tpu.memory_space<vmem>>
        %dma_wait3A_502 = tpu.memref_squeeze %dma_wait3A_501 : memref<1x128xi32, #tpu.memory_space<vmem>> -> memref<128xi32, #tpu.memory_space<vmem>>
        %dma_wait3A_503 = arith.constant 0 : i32
        %dma_wait3A_504 = tpu.memref_slice %arg7[%dma_wait3A_503] : memref<1600000xf32, #tpu.memory_space<vmem_shared>> -> memref<1600000xf32, #tpu.memory_space<vmem_shared>>
        tpu.wait_indirect_dma semaphore(%arg17 : memref<!tpu.dma_semaphore, #tpu.memory_space<semaphore_mem>>) src(%dma_wait3A_499 : memref<128xf32, #tpu.memory_space<vmem>>) dst(%dma_wait3A_504 : memref<1600000xf32, #tpu.memory_space<vmem_shared>>)
        %dma_wait3A_505 = arith.constant 3 : i32
        %dma_wait3A_506 = arith.constant 384 : i32
        %dma_wait3A_507 = tpu.memref_slice %arg14[%dma_wait3A_506] : memref<5120xf32, #tpu.memory_space<vmem>> -> memref<128xf32, #tpu.memory_space<vmem>>
        %dma_wait3A_508 = arith.constant 0 : i32
        %dma_wait3A_509 = tpu.memref_slice %arg15[%dma_wait3A_505, %dma_wait3A_508] : memref<40x128xi32, #tpu.memory_space<vmem>> -> memref<1x128xi32, #tpu.memory_space<vmem>>
        %dma_wait3A_510 = tpu.memref_squeeze %dma_wait3A_509 : memref<1x128xi32, #tpu.memory_space<vmem>> -> memref<128xi32, #tpu.memory_space<vmem>>
        %dma_wait3A_511 = arith.constant 0 : i32
        %dma_wait3A_512 = tpu.memref_slice %arg7[%dma_wait3A_511] : memref<1600000xf32, #tpu.memory_space<vmem_shared>> -> memref<1600000xf32, #tpu.memory_space<vmem_shared>>
        tpu.wait_indirect_dma semaphore(%arg17 : memref<!tpu.dma_semaphore, #tpu.memory_space<semaphore_mem>>) src(%dma_wait3A_507 : memref<128xf32, #tpu.memory_space<vmem>>) dst(%dma_wait3A_512 : memref<1600000xf32, #tpu.memory_space<vmem_shared>>)
        %dma_wait3A_513 = arith.constant 4 : i32
        %dma_wait3A_514 = arith.constant 512 : i32
        %dma_wait3A_515 = tpu.memref_slice %arg14[%dma_wait3A_514] : memref<5120xf32, #tpu.memory_space<vmem>> -> memref<128xf32, #tpu.memory_space<vmem>>
        %dma_wait3A_516 = arith.constant 0 : i32
        %dma_wait3A_517 = tpu.memref_slice %arg15[%dma_wait3A_513, %dma_wait3A_516] : memref<40x128xi32, #tpu.memory_space<vmem>> -> memref<1x128xi32, #tpu.memory_space<vmem>>
        %dma_wait3A_518 = tpu.memref_squeeze %dma_wait3A_517 : memref<1x128xi32, #tpu.memory_space<vmem>> -> memref<128xi32, #tpu.memory_space<vmem>>
        %dma_wait3A_519 = arith.constant 0 : i32
        %dma_wait3A_520 = tpu.memref_slice %arg7[%dma_wait3A_519] : memref<1600000xf32, #tpu.memory_space<vmem_shared>> -> memref<1600000xf32, #tpu.memory_space<vmem_shared>>
        tpu.wait_indirect_dma semaphore(%arg17 : memref<!tpu.dma_semaphore, #tpu.memory_space<semaphore_mem>>) src(%dma_wait3A_515 : memref<128xf32, #tpu.memory_space<vmem>>) dst(%dma_wait3A_520 : memref<1600000xf32, #tpu.memory_space<vmem_shared>>)
        %dma_wait3A_521 = arith.constant 5 : i32
        %dma_wait3A_522 = arith.constant 640 : i32
        %dma_wait3A_523 = tpu.memref_slice %arg14[%dma_wait3A_522] : memref<5120xf32, #tpu.memory_space<vmem>> -> memref<128xf32, #tpu.memory_space<vmem>>
        %dma_wait3A_524 = arith.constant 0 : i32
        %dma_wait3A_525 = tpu.memref_slice %arg15[%dma_wait3A_521, %dma_wait3A_524] : memref<40x128xi32, #tpu.memory_space<vmem>> -> memref<1x128xi32, #tpu.memory_space<vmem>>
        %dma_wait3A_526 = tpu.memref_squeeze %dma_wait3A_525 : memref<1x128xi32, #tpu.memory_space<vmem>> -> memref<128xi32, #tpu.memory_space<vmem>>
        %dma_wait3A_527 = arith.constant 0 : i32
        %dma_wait3A_528 = tpu.memref_slice %arg7[%dma_wait3A_527] : memref<1600000xf32, #tpu.memory_space<vmem_shared>> -> memref<1600000xf32, #tpu.memory_space<vmem_shared>>
        tpu.wait_indirect_dma semaphore(%arg17 : memref<!tpu.dma_semaphore, #tpu.memory_space<semaphore_mem>>) src(%dma_wait3A_523 : memref<128xf32, #tpu.memory_space<vmem>>) dst(%dma_wait3A_528 : memref<1600000xf32, #tpu.memory_space<vmem_shared>>)
        %dma_wait3A_529 = arith.constant 6 : i32
        %dma_wait3A_530 = arith.constant 768 : i32
        %dma_wait3A_531 = tpu.memref_slice %arg14[%dma_wait3A_530] : memref<5120xf32, #tpu.memory_space<vmem>> -> memref<128xf32, #tpu.memory_space<vmem>>
        %dma_wait3A_532 = arith.constant 0 : i32
        %dma_wait3A_533 = tpu.memref_slice %arg15[%dma_wait3A_529, %dma_wait3A_532] : memref<40x128xi32, #tpu.memory_space<vmem>> -> memref<1x128xi32, #tpu.memory_space<vmem>>
        %dma_wait3A_534 = tpu.memref_squeeze %dma_wait3A_533 : memref<1x128xi32, #tpu.memory_space<vmem>> -> memref<128xi32, #tpu.memory_space<vmem>>
        %dma_wait3A_535 = arith.constant 0 : i32
        %dma_wait3A_536 = tpu.memref_slice %arg7[%dma_wait3A_535] : memref<1600000xf32, #tpu.memory_space<vmem_shared>> -> memref<1600000xf32, #tpu.memory_space<vmem_shared>>
        tpu.wait_indirect_dma semaphore(%arg17 : memref<!tpu.dma_semaphore, #tpu.memory_space<semaphore_mem>>) src(%dma_wait3A_531 : memref<128xf32, #tpu.memory_space<vmem>>) dst(%dma_wait3A_536 : memref<1600000xf32, #tpu.memory_space<vmem_shared>>)
        %dma_wait3A_537 = arith.constant 7 : i32
        %dma_wait3A_538 = arith.constant 896 : i32
        %dma_wait3A_539 = tpu.memref_slice %arg14[%dma_wait3A_538] : memref<5120xf32, #tpu.memory_space<vmem>> -> memref<128xf32, #tpu.memory_space<vmem>>
        %dma_wait3A_540 = arith.constant 0 : i32
        %dma_wait3A_541 = tpu.memref_slice %arg15[%dma_wait3A_537, %dma_wait3A_540] : memref<40x128xi32, #tpu.memory_space<vmem>> -> memref<1x128xi32, #tpu.memory_space<vmem>>
        %dma_wait3A_542 = tpu.memref_squeeze %dma_wait3A_541 : memref<1x128xi32, #tpu.memory_space<vmem>> -> memref<128xi32, #tpu.memory_space<vmem>>
        %dma_wait3A_543 = arith.constant 0 : i32
        %dma_wait3A_544 = tpu.memref_slice %arg7[%dma_wait3A_543] : memref<1600000xf32, #tpu.memory_space<vmem_shared>> -> memref<1600000xf32, #tpu.memory_space<vmem_shared>>
        tpu.wait_indirect_dma semaphore(%arg17 : memref<!tpu.dma_semaphore, #tpu.memory_space<semaphore_mem>>) src(%dma_wait3A_539 : memref<128xf32, #tpu.memory_space<vmem>>) dst(%dma_wait3A_544 : memref<1600000xf32, #tpu.memory_space<vmem_shared>>)
        %dma_wait3A_545 = arith.constant 8 : i32
        %dma_wait3A_546 = arith.constant 1024 : i32
        %dma_wait3A_547 = tpu.memref_slice %arg14[%dma_wait3A_546] : memref<5120xf32, #tpu.memory_space<vmem>> -> memref<128xf32, #tpu.memory_space<vmem>>
        %dma_wait3A_548 = arith.constant 0 : i32
        %dma_wait3A_549 = tpu.memref_slice %arg15[%dma_wait3A_545, %dma_wait3A_548] : memref<40x128xi32, #tpu.memory_space<vmem>> -> memref<1x128xi32, #tpu.memory_space<vmem>>
        %dma_wait3A_550 = tpu.memref_squeeze %dma_wait3A_549 : memref<1x128xi32, #tpu.memory_space<vmem>> -> memref<128xi32, #tpu.memory_space<vmem>>
        %dma_wait3A_551 = arith.constant 0 : i32
        %dma_wait3A_552 = tpu.memref_slice %arg7[%dma_wait3A_551] : memref<1600000xf32, #tpu.memory_space<vmem_shared>> -> memref<1600000xf32, #tpu.memory_space<vmem_shared>>
        tpu.wait_indirect_dma semaphore(%arg17 : memref<!tpu.dma_semaphore, #tpu.memory_space<semaphore_mem>>) src(%dma_wait3A_547 : memref<128xf32, #tpu.memory_space<vmem>>) dst(%dma_wait3A_552 : memref<1600000xf32, #tpu.memory_space<vmem_shared>>)
        %dma_wait3A_553 = arith.constant 9 : i32
        %dma_wait3A_554 = arith.constant 1152 : i32
        %dma_wait3A_555 = tpu.memref_slice %arg14[%dma_wait3A_554] : memref<5120xf32, #tpu.memory_space<vmem>> -> memref<128xf32, #tpu.memory_space<vmem>>
        %dma_wait3A_556 = arith.constant 0 : i32
        %dma_wait3A_557 = tpu.memref_slice %arg15[%dma_wait3A_553, %dma_wait3A_556] : memref<40x128xi32, #tpu.memory_space<vmem>> -> memref<1x128xi32, #tpu.memory_space<vmem>>
        %dma_wait3A_558 = tpu.memref_squeeze %dma_wait3A_557 : memref<1x128xi32, #tpu.memory_space<vmem>> -> memref<128xi32, #tpu.memory_space<vmem>>
        %dma_wait3A_559 = arith.constant 0 : i32
        %dma_wait3A_560 = tpu.memref_slice %arg7[%dma_wait3A_559] : memref<1600000xf32, #tpu.memory_space<vmem_shared>> -> memref<1600000xf32, #tpu.memory_space<vmem_shared>>
        tpu.wait_indirect_dma semaphore(%arg17 : memref<!tpu.dma_semaphore, #tpu.memory_space<semaphore_mem>>) src(%dma_wait3A_555 : memref<128xf32, #tpu.memory_space<vmem>>) dst(%dma_wait3A_560 : memref<1600000xf32, #tpu.memory_space<vmem_shared>>)
        %dma_wait3A_561 = arith.constant 10 : i32
        %dma_wait3A_562 = arith.constant 1280 : i32
        %dma_wait3A_563 = tpu.memref_slice %arg14[%dma_wait3A_562] : memref<5120xf32, #tpu.memory_space<vmem>> -> memref<128xf32, #tpu.memory_space<vmem>>
        %dma_wait3A_564 = arith.constant 0 : i32
        %dma_wait3A_565 = tpu.memref_slice %arg15[%dma_wait3A_561, %dma_wait3A_564] : memref<40x128xi32, #tpu.memory_space<vmem>> -> memref<1x128xi32, #tpu.memory_space<vmem>>
        %dma_wait3A_566 = tpu.memref_squeeze %dma_wait3A_565 : memref<1x128xi32, #tpu.memory_space<vmem>> -> memref<128xi32, #tpu.memory_space<vmem>>
        %dma_wait3A_567 = arith.constant 0 : i32
        %dma_wait3A_568 = tpu.memref_slice %arg7[%dma_wait3A_567] : memref<1600000xf32, #tpu.memory_space<vmem_shared>> -> memref<1600000xf32, #tpu.memory_space<vmem_shared>>
        tpu.wait_indirect_dma semaphore(%arg17 : memref<!tpu.dma_semaphore, #tpu.memory_space<semaphore_mem>>) src(%dma_wait3A_563 : memref<128xf32, #tpu.memory_space<vmem>>) dst(%dma_wait3A_568 : memref<1600000xf32, #tpu.memory_space<vmem_shared>>)
        %dma_wait3A_569 = arith.constant 11 : i32
        %dma_wait3A_570 = arith.constant 1408 : i32
        %dma_wait3A_571 = tpu.memref_slice %arg14[%dma_wait3A_570] : memref<5120xf32, #tpu.memory_space<vmem>> -> memref<128xf32, #tpu.memory_space<vmem>>
        %dma_wait3A_572 = arith.constant 0 : i32
        %dma_wait3A_573 = tpu.memref_slice %arg15[%dma_wait3A_569, %dma_wait3A_572] : memref<40x128xi32, #tpu.memory_space<vmem>> -> memref<1x128xi32, #tpu.memory_space<vmem>>
        %dma_wait3A_574 = tpu.memref_squeeze %dma_wait3A_573 : memref<1x128xi32, #tpu.memory_space<vmem>> -> memref<128xi32, #tpu.memory_space<vmem>>
        %dma_wait3A_575 = arith.constant 0 : i32
        %dma_wait3A_576 = tpu.memref_slice %arg7[%dma_wait3A_575] : memref<1600000xf32, #tpu.memory_space<vmem_shared>> -> memref<1600000xf32, #tpu.memory_space<vmem_shared>>
        tpu.wait_indirect_dma semaphore(%arg17 : memref<!tpu.dma_semaphore, #tpu.memory_space<semaphore_mem>>) src(%dma_wait3A_571 : memref<128xf32, #tpu.memory_space<vmem>>) dst(%dma_wait3A_576 : memref<1600000xf32, #tpu.memory_space<vmem_shared>>)
        %dma_wait3A_577 = arith.constant 12 : i32
        %dma_wait3A_578 = arith.constant 1536 : i32
        %dma_wait3A_579 = tpu.memref_slice %arg14[%dma_wait3A_578] : memref<5120xf32, #tpu.memory_space<vmem>> -> memref<128xf32, #tpu.memory_space<vmem>>
        %dma_wait3A_580 = arith.constant 0 : i32
        %dma_wait3A_581 = tpu.memref_slice %arg15[%dma_wait3A_577, %dma_wait3A_580] : memref<40x128xi32, #tpu.memory_space<vmem>> -> memref<1x128xi32, #tpu.memory_space<vmem>>
        %dma_wait3A_582 = tpu.memref_squeeze %dma_wait3A_581 : memref<1x128xi32, #tpu.memory_space<vmem>> -> memref<128xi32, #tpu.memory_space<vmem>>
        %dma_wait3A_583 = arith.constant 0 : i32
        %dma_wait3A_584 = tpu.memref_slice %arg7[%dma_wait3A_583] : memref<1600000xf32, #tpu.memory_space<vmem_shared>> -> memref<1600000xf32, #tpu.memory_space<vmem_shared>>
        tpu.wait_indirect_dma semaphore(%arg17 : memref<!tpu.dma_semaphore, #tpu.memory_space<semaphore_mem>>) src(%dma_wait3A_579 : memref<128xf32, #tpu.memory_space<vmem>>) dst(%dma_wait3A_584 : memref<1600000xf32, #tpu.memory_space<vmem_shared>>)
        %dma_wait3A_585 = arith.constant 13 : i32
        %dma_wait3A_586 = arith.constant 1664 : i32
        %dma_wait3A_587 = tpu.memref_slice %arg14[%dma_wait3A_586] : memref<5120xf32, #tpu.memory_space<vmem>> -> memref<128xf32, #tpu.memory_space<vmem>>
        %dma_wait3A_588 = arith.constant 0 : i32
        %dma_wait3A_589 = tpu.memref_slice %arg15[%dma_wait3A_585, %dma_wait3A_588] : memref<40x128xi32, #tpu.memory_space<vmem>> -> memref<1x128xi32, #tpu.memory_space<vmem>>
        %dma_wait3A_590 = tpu.memref_squeeze %dma_wait3A_589 : memref<1x128xi32, #tpu.memory_space<vmem>> -> memref<128xi32, #tpu.memory_space<vmem>>
        %dma_wait3A_591 = arith.constant 0 : i32
        %dma_wait3A_592 = tpu.memref_slice %arg7[%dma_wait3A_591] : memref<1600000xf32, #tpu.memory_space<vmem_shared>> -> memref<1600000xf32, #tpu.memory_space<vmem_shared>>
        tpu.wait_indirect_dma semaphore(%arg17 : memref<!tpu.dma_semaphore, #tpu.memory_space<semaphore_mem>>) src(%dma_wait3A_587 : memref<128xf32, #tpu.memory_space<vmem>>) dst(%dma_wait3A_592 : memref<1600000xf32, #tpu.memory_space<vmem_shared>>)
        %dma_wait3A_593 = arith.constant 14 : i32
        %dma_wait3A_594 = arith.constant 1792 : i32
        %dma_wait3A_595 = tpu.memref_slice %arg14[%dma_wait3A_594] : memref<5120xf32, #tpu.memory_space<vmem>> -> memref<128xf32, #tpu.memory_space<vmem>>
        %dma_wait3A_596 = arith.constant 0 : i32
        %dma_wait3A_597 = tpu.memref_slice %arg15[%dma_wait3A_593, %dma_wait3A_596] : memref<40x128xi32, #tpu.memory_space<vmem>> -> memref<1x128xi32, #tpu.memory_space<vmem>>
        %dma_wait3A_598 = tpu.memref_squeeze %dma_wait3A_597 : memref<1x128xi32, #tpu.memory_space<vmem>> -> memref<128xi32, #tpu.memory_space<vmem>>
        %dma_wait3A_599 = arith.constant 0 : i32
        %dma_wait3A_600 = tpu.memref_slice %arg7[%dma_wait3A_599] : memref<1600000xf32, #tpu.memory_space<vmem_shared>> -> memref<1600000xf32, #tpu.memory_space<vmem_shared>>
        tpu.wait_indirect_dma semaphore(%arg17 : memref<!tpu.dma_semaphore, #tpu.memory_space<semaphore_mem>>) src(%dma_wait3A_595 : memref<128xf32, #tpu.memory_space<vmem>>) dst(%dma_wait3A_600 : memref<1600000xf32, #tpu.memory_space<vmem_shared>>)
        %dma_wait3A_601 = arith.constant 15 : i32
        %dma_wait3A_602 = arith.constant 1920 : i32
        %dma_wait3A_603 = tpu.memref_slice %arg14[%dma_wait3A_602] : memref<5120xf32, #tpu.memory_space<vmem>> -> memref<128xf32, #tpu.memory_space<vmem>>
        %dma_wait3A_604 = arith.constant 0 : i32
        %dma_wait3A_605 = tpu.memref_slice %arg15[%dma_wait3A_601, %dma_wait3A_604] : memref<40x128xi32, #tpu.memory_space<vmem>> -> memref<1x128xi32, #tpu.memory_space<vmem>>
        %dma_wait3A_606 = tpu.memref_squeeze %dma_wait3A_605 : memref<1x128xi32, #tpu.memory_space<vmem>> -> memref<128xi32, #tpu.memory_space<vmem>>
        %dma_wait3A_607 = arith.constant 0 : i32
        %dma_wait3A_608 = tpu.memref_slice %arg7[%dma_wait3A_607] : memref<1600000xf32, #tpu.memory_space<vmem_shared>> -> memref<1600000xf32, #tpu.memory_space<vmem_shared>>
        tpu.wait_indirect_dma semaphore(%arg17 : memref<!tpu.dma_semaphore, #tpu.memory_space<semaphore_mem>>) src(%dma_wait3A_603 : memref<128xf32, #tpu.memory_space<vmem>>) dst(%dma_wait3A_608 : memref<1600000xf32, #tpu.memory_space<vmem_shared>>)
        %dma_wait3A_609 = arith.constant 16 : i32
        %dma_wait3A_610 = arith.constant 2048 : i32
        %dma_wait3A_611 = tpu.memref_slice %arg14[%dma_wait3A_610] : memref<5120xf32, #tpu.memory_space<vmem>> -> memref<128xf32, #tpu.memory_space<vmem>>
        %dma_wait3A_612 = arith.constant 0 : i32
        %dma_wait3A_613 = tpu.memref_slice %arg15[%dma_wait3A_609, %dma_wait3A_612] : memref<40x128xi32, #tpu.memory_space<vmem>> -> memref<1x128xi32, #tpu.memory_space<vmem>>
        %dma_wait3A_614 = tpu.memref_squeeze %dma_wait3A_613 : memref<1x128xi32, #tpu.memory_space<vmem>> -> memref<128xi32, #tpu.memory_space<vmem>>
        %dma_wait3A_615 = arith.constant 0 : i32
        %dma_wait3A_616 = tpu.memref_slice %arg7[%dma_wait3A_615] : memref<1600000xf32, #tpu.memory_space<vmem_shared>> -> memref<1600000xf32, #tpu.memory_space<vmem_shared>>
        tpu.wait_indirect_dma semaphore(%arg17 : memref<!tpu.dma_semaphore, #tpu.memory_space<semaphore_mem>>) src(%dma_wait3A_611 : memref<128xf32, #tpu.memory_space<vmem>>) dst(%dma_wait3A_616 : memref<1600000xf32, #tpu.memory_space<vmem_shared>>)
        %dma_wait3A_617 = arith.constant 17 : i32
        %dma_wait3A_618 = arith.constant 2176 : i32
        %dma_wait3A_619 = tpu.memref_slice %arg14[%dma_wait3A_618] : memref<5120xf32, #tpu.memory_space<vmem>> -> memref<128xf32, #tpu.memory_space<vmem>>
        %dma_wait3A_620 = arith.constant 0 : i32
        %dma_wait3A_621 = tpu.memref_slice %arg15[%dma_wait3A_617, %dma_wait3A_620] : memref<40x128xi32, #tpu.memory_space<vmem>> -> memref<1x128xi32, #tpu.memory_space<vmem>>
        %dma_wait3A_622 = tpu.memref_squeeze %dma_wait3A_621 : memref<1x128xi32, #tpu.memory_space<vmem>> -> memref<128xi32, #tpu.memory_space<vmem>>
        %dma_wait3A_623 = arith.constant 0 : i32
        %dma_wait3A_624 = tpu.memref_slice %arg7[%dma_wait3A_623] : memref<1600000xf32, #tpu.memory_space<vmem_shared>> -> memref<1600000xf32, #tpu.memory_space<vmem_shared>>
        tpu.wait_indirect_dma semaphore(%arg17 : memref<!tpu.dma_semaphore, #tpu.memory_space<semaphore_mem>>) src(%dma_wait3A_619 : memref<128xf32, #tpu.memory_space<vmem>>) dst(%dma_wait3A_624 : memref<1600000xf32, #tpu.memory_space<vmem_shared>>)
        %dma_wait3A_625 = arith.constant 18 : i32
        %dma_wait3A_626 = arith.constant 2304 : i32
        %dma_wait3A_627 = tpu.memref_slice %arg14[%dma_wait3A_626] : memref<5120xf32, #tpu.memory_space<vmem>> -> memref<128xf32, #tpu.memory_space<vmem>>
        %dma_wait3A_628 = arith.constant 0 : i32
        %dma_wait3A_629 = tpu.memref_slice %arg15[%dma_wait3A_625, %dma_wait3A_628] : memref<40x128xi32, #tpu.memory_space<vmem>> -> memref<1x128xi32, #tpu.memory_space<vmem>>
        %dma_wait3A_630 = tpu.memref_squeeze %dma_wait3A_629 : memref<1x128xi32, #tpu.memory_space<vmem>> -> memref<128xi32, #tpu.memory_space<vmem>>
        %dma_wait3A_631 = arith.constant 0 : i32
        %dma_wait3A_632 = tpu.memref_slice %arg7[%dma_wait3A_631] : memref<1600000xf32, #tpu.memory_space<vmem_shared>> -> memref<1600000xf32, #tpu.memory_space<vmem_shared>>
        tpu.wait_indirect_dma semaphore(%arg17 : memref<!tpu.dma_semaphore, #tpu.memory_space<semaphore_mem>>) src(%dma_wait3A_627 : memref<128xf32, #tpu.memory_space<vmem>>) dst(%dma_wait3A_632 : memref<1600000xf32, #tpu.memory_space<vmem_shared>>)
        %dma_wait3A_633 = arith.constant 19 : i32
        %dma_wait3A_634 = arith.constant 2432 : i32
        %dma_wait3A_635 = tpu.memref_slice %arg14[%dma_wait3A_634] : memref<5120xf32, #tpu.memory_space<vmem>> -> memref<128xf32, #tpu.memory_space<vmem>>
        %dma_wait3A_636 = arith.constant 0 : i32
        %dma_wait3A_637 = tpu.memref_slice %arg15[%dma_wait3A_633, %dma_wait3A_636] : memref<40x128xi32, #tpu.memory_space<vmem>> -> memref<1x128xi32, #tpu.memory_space<vmem>>
        %dma_wait3A_638 = tpu.memref_squeeze %dma_wait3A_637 : memref<1x128xi32, #tpu.memory_space<vmem>> -> memref<128xi32, #tpu.memory_space<vmem>>
        %dma_wait3A_639 = arith.constant 0 : i32
        %dma_wait3A_640 = tpu.memref_slice %arg7[%dma_wait3A_639] : memref<1600000xf32, #tpu.memory_space<vmem_shared>> -> memref<1600000xf32, #tpu.memory_space<vmem_shared>>
        tpu.wait_indirect_dma semaphore(%arg17 : memref<!tpu.dma_semaphore, #tpu.memory_space<semaphore_mem>>) src(%dma_wait3A_635 : memref<128xf32, #tpu.memory_space<vmem>>) dst(%dma_wait3A_640 : memref<1600000xf32, #tpu.memory_space<vmem_shared>>)
        %dma_wait3A_641 = arith.constant 20 : i32
        %dma_wait3A_642 = arith.constant 2560 : i32
        %dma_wait3A_643 = tpu.memref_slice %arg14[%dma_wait3A_642] : memref<5120xf32, #tpu.memory_space<vmem>> -> memref<128xf32, #tpu.memory_space<vmem>>
        %dma_wait3A_644 = arith.constant 0 : i32
        %dma_wait3A_645 = tpu.memref_slice %arg15[%dma_wait3A_641, %dma_wait3A_644] : memref<40x128xi32, #tpu.memory_space<vmem>> -> memref<1x128xi32, #tpu.memory_space<vmem>>
        %dma_wait3A_646 = tpu.memref_squeeze %dma_wait3A_645 : memref<1x128xi32, #tpu.memory_space<vmem>> -> memref<128xi32, #tpu.memory_space<vmem>>
        %dma_wait3A_647 = arith.constant 0 : i32
        %dma_wait3A_648 = tpu.memref_slice %arg7[%dma_wait3A_647] : memref<1600000xf32, #tpu.memory_space<vmem_shared>> -> memref<1600000xf32, #tpu.memory_space<vmem_shared>>
        tpu.wait_indirect_dma semaphore(%arg17 : memref<!tpu.dma_semaphore, #tpu.memory_space<semaphore_mem>>) src(%dma_wait3A_643 : memref<128xf32, #tpu.memory_space<vmem>>) dst(%dma_wait3A_648 : memref<1600000xf32, #tpu.memory_space<vmem_shared>>)
        %dma_wait3A_649 = arith.constant 21 : i32
        %dma_wait3A_650 = arith.constant 2688 : i32
        %dma_wait3A_651 = tpu.memref_slice %arg14[%dma_wait3A_650] : memref<5120xf32, #tpu.memory_space<vmem>> -> memref<128xf32, #tpu.memory_space<vmem>>
        %dma_wait3A_652 = arith.constant 0 : i32
        %dma_wait3A_653 = tpu.memref_slice %arg15[%dma_wait3A_649, %dma_wait3A_652] : memref<40x128xi32, #tpu.memory_space<vmem>> -> memref<1x128xi32, #tpu.memory_space<vmem>>
        %dma_wait3A_654 = tpu.memref_squeeze %dma_wait3A_653 : memref<1x128xi32, #tpu.memory_space<vmem>> -> memref<128xi32, #tpu.memory_space<vmem>>
        %dma_wait3A_655 = arith.constant 0 : i32
        %dma_wait3A_656 = tpu.memref_slice %arg7[%dma_wait3A_655] : memref<1600000xf32, #tpu.memory_space<vmem_shared>> -> memref<1600000xf32, #tpu.memory_space<vmem_shared>>
        tpu.wait_indirect_dma semaphore(%arg17 : memref<!tpu.dma_semaphore, #tpu.memory_space<semaphore_mem>>) src(%dma_wait3A_651 : memref<128xf32, #tpu.memory_space<vmem>>) dst(%dma_wait3A_656 : memref<1600000xf32, #tpu.memory_space<vmem_shared>>)
        %dma_wait3A_657 = arith.constant 22 : i32
        %dma_wait3A_658 = arith.constant 2816 : i32
        %dma_wait3A_659 = tpu.memref_slice %arg14[%dma_wait3A_658] : memref<5120xf32, #tpu.memory_space<vmem>> -> memref<128xf32, #tpu.memory_space<vmem>>
        %dma_wait3A_660 = arith.constant 0 : i32
        %dma_wait3A_661 = tpu.memref_slice %arg15[%dma_wait3A_657, %dma_wait3A_660] : memref<40x128xi32, #tpu.memory_space<vmem>> -> memref<1x128xi32, #tpu.memory_space<vmem>>
        %dma_wait3A_662 = tpu.memref_squeeze %dma_wait3A_661 : memref<1x128xi32, #tpu.memory_space<vmem>> -> memref<128xi32, #tpu.memory_space<vmem>>
        %dma_wait3A_663 = arith.constant 0 : i32
        %dma_wait3A_664 = tpu.memref_slice %arg7[%dma_wait3A_663] : memref<1600000xf32, #tpu.memory_space<vmem_shared>> -> memref<1600000xf32, #tpu.memory_space<vmem_shared>>
        tpu.wait_indirect_dma semaphore(%arg17 : memref<!tpu.dma_semaphore, #tpu.memory_space<semaphore_mem>>) src(%dma_wait3A_659 : memref<128xf32, #tpu.memory_space<vmem>>) dst(%dma_wait3A_664 : memref<1600000xf32, #tpu.memory_space<vmem_shared>>)
        %dma_wait3A_665 = arith.constant 23 : i32
        %dma_wait3A_666 = arith.constant 2944 : i32
        %dma_wait3A_667 = tpu.memref_slice %arg14[%dma_wait3A_666] : memref<5120xf32, #tpu.memory_space<vmem>> -> memref<128xf32, #tpu.memory_space<vmem>>
        %dma_wait3A_668 = arith.constant 0 : i32
        %dma_wait3A_669 = tpu.memref_slice %arg15[%dma_wait3A_665, %dma_wait3A_668] : memref<40x128xi32, #tpu.memory_space<vmem>> -> memref<1x128xi32, #tpu.memory_space<vmem>>
        %dma_wait3A_670 = tpu.memref_squeeze %dma_wait3A_669 : memref<1x128xi32, #tpu.memory_space<vmem>> -> memref<128xi32, #tpu.memory_space<vmem>>
        %dma_wait3A_671 = arith.constant 0 : i32
        %dma_wait3A_672 = tpu.memref_slice %arg7[%dma_wait3A_671] : memref<1600000xf32, #tpu.memory_space<vmem_shared>> -> memref<1600000xf32, #tpu.memory_space<vmem_shared>>
        tpu.wait_indirect_dma semaphore(%arg17 : memref<!tpu.dma_semaphore, #tpu.memory_space<semaphore_mem>>) src(%dma_wait3A_667 : memref<128xf32, #tpu.memory_space<vmem>>) dst(%dma_wait3A_672 : memref<1600000xf32, #tpu.memory_space<vmem_shared>>)
        %dma_wait3A_673 = arith.constant 24 : i32
        %dma_wait3A_674 = arith.constant 3072 : i32
        %dma_wait3A_675 = tpu.memref_slice %arg14[%dma_wait3A_674] : memref<5120xf32, #tpu.memory_space<vmem>> -> memref<128xf32, #tpu.memory_space<vmem>>
        %dma_wait3A_676 = arith.constant 0 : i32
        %dma_wait3A_677 = tpu.memref_slice %arg15[%dma_wait3A_673, %dma_wait3A_676] : memref<40x128xi32, #tpu.memory_space<vmem>> -> memref<1x128xi32, #tpu.memory_space<vmem>>
        %dma_wait3A_678 = tpu.memref_squeeze %dma_wait3A_677 : memref<1x128xi32, #tpu.memory_space<vmem>> -> memref<128xi32, #tpu.memory_space<vmem>>
        %dma_wait3A_679 = arith.constant 0 : i32
        %dma_wait3A_680 = tpu.memref_slice %arg7[%dma_wait3A_679] : memref<1600000xf32, #tpu.memory_space<vmem_shared>> -> memref<1600000xf32, #tpu.memory_space<vmem_shared>>
        tpu.wait_indirect_dma semaphore(%arg17 : memref<!tpu.dma_semaphore, #tpu.memory_space<semaphore_mem>>) src(%dma_wait3A_675 : memref<128xf32, #tpu.memory_space<vmem>>) dst(%dma_wait3A_680 : memref<1600000xf32, #tpu.memory_space<vmem_shared>>)
        %dma_wait3A_681 = arith.constant 25 : i32
        %dma_wait3A_682 = arith.constant 3200 : i32
        %dma_wait3A_683 = tpu.memref_slice %arg14[%dma_wait3A_682] : memref<5120xf32, #tpu.memory_space<vmem>> -> memref<128xf32, #tpu.memory_space<vmem>>
        %dma_wait3A_684 = arith.constant 0 : i32
        %dma_wait3A_685 = tpu.memref_slice %arg15[%dma_wait3A_681, %dma_wait3A_684] : memref<40x128xi32, #tpu.memory_space<vmem>> -> memref<1x128xi32, #tpu.memory_space<vmem>>
        %dma_wait3A_686 = tpu.memref_squeeze %dma_wait3A_685 : memref<1x128xi32, #tpu.memory_space<vmem>> -> memref<128xi32, #tpu.memory_space<vmem>>
        %dma_wait3A_687 = arith.constant 0 : i32
        %dma_wait3A_688 = tpu.memref_slice %arg7[%dma_wait3A_687] : memref<1600000xf32, #tpu.memory_space<vmem_shared>> -> memref<1600000xf32, #tpu.memory_space<vmem_shared>>
        tpu.wait_indirect_dma semaphore(%arg17 : memref<!tpu.dma_semaphore, #tpu.memory_space<semaphore_mem>>) src(%dma_wait3A_683 : memref<128xf32, #tpu.memory_space<vmem>>) dst(%dma_wait3A_688 : memref<1600000xf32, #tpu.memory_space<vmem_shared>>)
        %dma_wait3A_689 = arith.constant 26 : i32
        %dma_wait3A_690 = arith.constant 3328 : i32
        %dma_wait3A_691 = tpu.memref_slice %arg14[%dma_wait3A_690] : memref<5120xf32, #tpu.memory_space<vmem>> -> memref<128xf32, #tpu.memory_space<vmem>>
        %dma_wait3A_692 = arith.constant 0 : i32
        %dma_wait3A_693 = tpu.memref_slice %arg15[%dma_wait3A_689, %dma_wait3A_692] : memref<40x128xi32, #tpu.memory_space<vmem>> -> memref<1x128xi32, #tpu.memory_space<vmem>>
        %dma_wait3A_694 = tpu.memref_squeeze %dma_wait3A_693 : memref<1x128xi32, #tpu.memory_space<vmem>> -> memref<128xi32, #tpu.memory_space<vmem>>
        %dma_wait3A_695 = arith.constant 0 : i32
        %dma_wait3A_696 = tpu.memref_slice %arg7[%dma_wait3A_695] : memref<1600000xf32, #tpu.memory_space<vmem_shared>> -> memref<1600000xf32, #tpu.memory_space<vmem_shared>>
        tpu.wait_indirect_dma semaphore(%arg17 : memref<!tpu.dma_semaphore, #tpu.memory_space<semaphore_mem>>) src(%dma_wait3A_691 : memref<128xf32, #tpu.memory_space<vmem>>) dst(%dma_wait3A_696 : memref<1600000xf32, #tpu.memory_space<vmem_shared>>)
        %dma_wait3A_697 = arith.constant 27 : i32
        %dma_wait3A_698 = arith.constant 3456 : i32
        %dma_wait3A_699 = tpu.memref_slice %arg14[%dma_wait3A_698] : memref<5120xf32, #tpu.memory_space<vmem>> -> memref<128xf32, #tpu.memory_space<vmem>>
        %dma_wait3A_700 = arith.constant 0 : i32
        %dma_wait3A_701 = tpu.memref_slice %arg15[%dma_wait3A_697, %dma_wait3A_700] : memref<40x128xi32, #tpu.memory_space<vmem>> -> memref<1x128xi32, #tpu.memory_space<vmem>>
        %dma_wait3A_702 = tpu.memref_squeeze %dma_wait3A_701 : memref<1x128xi32, #tpu.memory_space<vmem>> -> memref<128xi32, #tpu.memory_space<vmem>>
        %dma_wait3A_703 = arith.constant 0 : i32
        %dma_wait3A_704 = tpu.memref_slice %arg7[%dma_wait3A_703] : memref<1600000xf32, #tpu.memory_space<vmem_shared>> -> memref<1600000xf32, #tpu.memory_space<vmem_shared>>
        tpu.wait_indirect_dma semaphore(%arg17 : memref<!tpu.dma_semaphore, #tpu.memory_space<semaphore_mem>>) src(%dma_wait3A_699 : memref<128xf32, #tpu.memory_space<vmem>>) dst(%dma_wait3A_704 : memref<1600000xf32, #tpu.memory_space<vmem_shared>>)
        %dma_wait3A_705 = arith.constant 28 : i32
        %dma_wait3A_706 = arith.constant 3584 : i32
        %dma_wait3A_707 = tpu.memref_slice %arg14[%dma_wait3A_706] : memref<5120xf32, #tpu.memory_space<vmem>> -> memref<128xf32, #tpu.memory_space<vmem>>
        %dma_wait3A_708 = arith.constant 0 : i32
        %dma_wait3A_709 = tpu.memref_slice %arg15[%dma_wait3A_705, %dma_wait3A_708] : memref<40x128xi32, #tpu.memory_space<vmem>> -> memref<1x128xi32, #tpu.memory_space<vmem>>
        %dma_wait3A_710 = tpu.memref_squeeze %dma_wait3A_709 : memref<1x128xi32, #tpu.memory_space<vmem>> -> memref<128xi32, #tpu.memory_space<vmem>>
        %dma_wait3A_711 = arith.constant 0 : i32
        %dma_wait3A_712 = tpu.memref_slice %arg7[%dma_wait3A_711] : memref<1600000xf32, #tpu.memory_space<vmem_shared>> -> memref<1600000xf32, #tpu.memory_space<vmem_shared>>
        tpu.wait_indirect_dma semaphore(%arg17 : memref<!tpu.dma_semaphore, #tpu.memory_space<semaphore_mem>>) src(%dma_wait3A_707 : memref<128xf32, #tpu.memory_space<vmem>>) dst(%dma_wait3A_712 : memref<1600000xf32, #tpu.memory_space<vmem_shared>>)
        %dma_wait3A_713 = arith.constant 29 : i32
        %dma_wait3A_714 = arith.constant 3712 : i32
        %dma_wait3A_715 = tpu.memref_slice %arg14[%dma_wait3A_714] : memref<5120xf32, #tpu.memory_space<vmem>> -> memref<128xf32, #tpu.memory_space<vmem>>
        %dma_wait3A_716 = arith.constant 0 : i32
        %dma_wait3A_717 = tpu.memref_slice %arg15[%dma_wait3A_713, %dma_wait3A_716] : memref<40x128xi32, #tpu.memory_space<vmem>> -> memref<1x128xi32, #tpu.memory_space<vmem>>
        %dma_wait3A_718 = tpu.memref_squeeze %dma_wait3A_717 : memref<1x128xi32, #tpu.memory_space<vmem>> -> memref<128xi32, #tpu.memory_space<vmem>>
        %dma_wait3A_719 = arith.constant 0 : i32
        %dma_wait3A_720 = tpu.memref_slice %arg7[%dma_wait3A_719] : memref<1600000xf32, #tpu.memory_space<vmem_shared>> -> memref<1600000xf32, #tpu.memory_space<vmem_shared>>
        tpu.wait_indirect_dma semaphore(%arg17 : memref<!tpu.dma_semaphore, #tpu.memory_space<semaphore_mem>>) src(%dma_wait3A_715 : memref<128xf32, #tpu.memory_space<vmem>>) dst(%dma_wait3A_720 : memref<1600000xf32, #tpu.memory_space<vmem_shared>>)
        %dma_wait3A_721 = arith.constant 30 : i32
        %dma_wait3A_722 = arith.constant 3840 : i32
        %dma_wait3A_723 = tpu.memref_slice %arg14[%dma_wait3A_722] : memref<5120xf32, #tpu.memory_space<vmem>> -> memref<128xf32, #tpu.memory_space<vmem>>
        %dma_wait3A_724 = arith.constant 0 : i32
        %dma_wait3A_725 = tpu.memref_slice %arg15[%dma_wait3A_721, %dma_wait3A_724] : memref<40x128xi32, #tpu.memory_space<vmem>> -> memref<1x128xi32, #tpu.memory_space<vmem>>
        %dma_wait3A_726 = tpu.memref_squeeze %dma_wait3A_725 : memref<1x128xi32, #tpu.memory_space<vmem>> -> memref<128xi32, #tpu.memory_space<vmem>>
        %dma_wait3A_727 = arith.constant 0 : i32
        %dma_wait3A_728 = tpu.memref_slice %arg7[%dma_wait3A_727] : memref<1600000xf32, #tpu.memory_space<vmem_shared>> -> memref<1600000xf32, #tpu.memory_space<vmem_shared>>
        tpu.wait_indirect_dma semaphore(%arg17 : memref<!tpu.dma_semaphore, #tpu.memory_space<semaphore_mem>>) src(%dma_wait3A_723 : memref<128xf32, #tpu.memory_space<vmem>>) dst(%dma_wait3A_728 : memref<1600000xf32, #tpu.memory_space<vmem_shared>>)
        %dma_wait3A_729 = arith.constant 31 : i32
        %dma_wait3A_730 = arith.constant 3968 : i32
        %dma_wait3A_731 = tpu.memref_slice %arg14[%dma_wait3A_730] : memref<5120xf32, #tpu.memory_space<vmem>> -> memref<128xf32, #tpu.memory_space<vmem>>
        %dma_wait3A_732 = arith.constant 0 : i32
        %dma_wait3A_733 = tpu.memref_slice %arg15[%dma_wait3A_729, %dma_wait3A_732] : memref<40x128xi32, #tpu.memory_space<vmem>> -> memref<1x128xi32, #tpu.memory_space<vmem>>
        %dma_wait3A_734 = tpu.memref_squeeze %dma_wait3A_733 : memref<1x128xi32, #tpu.memory_space<vmem>> -> memref<128xi32, #tpu.memory_space<vmem>>
        %dma_wait3A_735 = arith.constant 0 : i32
        %dma_wait3A_736 = tpu.memref_slice %arg7[%dma_wait3A_735] : memref<1600000xf32, #tpu.memory_space<vmem_shared>> -> memref<1600000xf32, #tpu.memory_space<vmem_shared>>
        tpu.wait_indirect_dma semaphore(%arg17 : memref<!tpu.dma_semaphore, #tpu.memory_space<semaphore_mem>>) src(%dma_wait3A_731 : memref<128xf32, #tpu.memory_space<vmem>>) dst(%dma_wait3A_736 : memref<1600000xf32, #tpu.memory_space<vmem_shared>>)
        %dma_wait3A_737 = arith.constant 32 : i32
        %dma_wait3A_738 = arith.constant 4096 : i32
        %dma_wait3A_739 = tpu.memref_slice %arg14[%dma_wait3A_738] : memref<5120xf32, #tpu.memory_space<vmem>> -> memref<128xf32, #tpu.memory_space<vmem>>
        %dma_wait3A_740 = arith.constant 0 : i32
        %dma_wait3A_741 = tpu.memref_slice %arg15[%dma_wait3A_737, %dma_wait3A_740] : memref<40x128xi32, #tpu.memory_space<vmem>> -> memref<1x128xi32, #tpu.memory_space<vmem>>
        %dma_wait3A_742 = tpu.memref_squeeze %dma_wait3A_741 : memref<1x128xi32, #tpu.memory_space<vmem>> -> memref<128xi32, #tpu.memory_space<vmem>>
        %dma_wait3A_743 = arith.constant 0 : i32
        %dma_wait3A_744 = tpu.memref_slice %arg7[%dma_wait3A_743] : memref<1600000xf32, #tpu.memory_space<vmem_shared>> -> memref<1600000xf32, #tpu.memory_space<vmem_shared>>
        tpu.wait_indirect_dma semaphore(%arg17 : memref<!tpu.dma_semaphore, #tpu.memory_space<semaphore_mem>>) src(%dma_wait3A_739 : memref<128xf32, #tpu.memory_space<vmem>>) dst(%dma_wait3A_744 : memref<1600000xf32, #tpu.memory_space<vmem_shared>>)
        %dma_wait3A_745 = arith.constant 33 : i32
        %dma_wait3A_746 = arith.constant 4224 : i32
        %dma_wait3A_747 = tpu.memref_slice %arg14[%dma_wait3A_746] : memref<5120xf32, #tpu.memory_space<vmem>> -> memref<128xf32, #tpu.memory_space<vmem>>
        %dma_wait3A_748 = arith.constant 0 : i32
        %dma_wait3A_749 = tpu.memref_slice %arg15[%dma_wait3A_745, %dma_wait3A_748] : memref<40x128xi32, #tpu.memory_space<vmem>> -> memref<1x128xi32, #tpu.memory_space<vmem>>
        %dma_wait3A_750 = tpu.memref_squeeze %dma_wait3A_749 : memref<1x128xi32, #tpu.memory_space<vmem>> -> memref<128xi32, #tpu.memory_space<vmem>>
        %dma_wait3A_751 = arith.constant 0 : i32
        %dma_wait3A_752 = tpu.memref_slice %arg7[%dma_wait3A_751] : memref<1600000xf32, #tpu.memory_space<vmem_shared>> -> memref<1600000xf32, #tpu.memory_space<vmem_shared>>
        tpu.wait_indirect_dma semaphore(%arg17 : memref<!tpu.dma_semaphore, #tpu.memory_space<semaphore_mem>>) src(%dma_wait3A_747 : memref<128xf32, #tpu.memory_space<vmem>>) dst(%dma_wait3A_752 : memref<1600000xf32, #tpu.memory_space<vmem_shared>>)
        %dma_wait3A_753 = arith.constant 34 : i32
        %dma_wait3A_754 = arith.constant 4352 : i32
        %dma_wait3A_755 = tpu.memref_slice %arg14[%dma_wait3A_754] : memref<5120xf32, #tpu.memory_space<vmem>> -> memref<128xf32, #tpu.memory_space<vmem>>
        %dma_wait3A_756 = arith.constant 0 : i32
        %dma_wait3A_757 = tpu.memref_slice %arg15[%dma_wait3A_753, %dma_wait3A_756] : memref<40x128xi32, #tpu.memory_space<vmem>> -> memref<1x128xi32, #tpu.memory_space<vmem>>
        %dma_wait3A_758 = tpu.memref_squeeze %dma_wait3A_757 : memref<1x128xi32, #tpu.memory_space<vmem>> -> memref<128xi32, #tpu.memory_space<vmem>>
        %dma_wait3A_759 = arith.constant 0 : i32
        %dma_wait3A_760 = tpu.memref_slice %arg7[%dma_wait3A_759] : memref<1600000xf32, #tpu.memory_space<vmem_shared>> -> memref<1600000xf32, #tpu.memory_space<vmem_shared>>
        tpu.wait_indirect_dma semaphore(%arg17 : memref<!tpu.dma_semaphore, #tpu.memory_space<semaphore_mem>>) src(%dma_wait3A_755 : memref<128xf32, #tpu.memory_space<vmem>>) dst(%dma_wait3A_760 : memref<1600000xf32, #tpu.memory_space<vmem_shared>>)
        %dma_wait3A_761 = arith.constant 35 : i32
        %dma_wait3A_762 = arith.constant 4480 : i32
        %dma_wait3A_763 = tpu.memref_slice %arg14[%dma_wait3A_762] : memref<5120xf32, #tpu.memory_space<vmem>> -> memref<128xf32, #tpu.memory_space<vmem>>
        %dma_wait3A_764 = arith.constant 0 : i32
        %dma_wait3A_765 = tpu.memref_slice %arg15[%dma_wait3A_761, %dma_wait3A_764] : memref<40x128xi32, #tpu.memory_space<vmem>> -> memref<1x128xi32, #tpu.memory_space<vmem>>
        %dma_wait3A_766 = tpu.memref_squeeze %dma_wait3A_765 : memref<1x128xi32, #tpu.memory_space<vmem>> -> memref<128xi32, #tpu.memory_space<vmem>>
        %dma_wait3A_767 = arith.constant 0 : i32
        %dma_wait3A_768 = tpu.memref_slice %arg7[%dma_wait3A_767] : memref<1600000xf32, #tpu.memory_space<vmem_shared>> -> memref<1600000xf32, #tpu.memory_space<vmem_shared>>
        tpu.wait_indirect_dma semaphore(%arg17 : memref<!tpu.dma_semaphore, #tpu.memory_space<semaphore_mem>>) src(%dma_wait3A_763 : memref<128xf32, #tpu.memory_space<vmem>>) dst(%dma_wait3A_768 : memref<1600000xf32, #tpu.memory_space<vmem_shared>>)
        %dma_wait3A_769 = arith.constant 36 : i32
        %dma_wait3A_770 = arith.constant 4608 : i32
        %dma_wait3A_771 = tpu.memref_slice %arg14[%dma_wait3A_770] : memref<5120xf32, #tpu.memory_space<vmem>> -> memref<128xf32, #tpu.memory_space<vmem>>
        %dma_wait3A_772 = arith.constant 0 : i32
        %dma_wait3A_773 = tpu.memref_slice %arg15[%dma_wait3A_769, %dma_wait3A_772] : memref<40x128xi32, #tpu.memory_space<vmem>> -> memref<1x128xi32, #tpu.memory_space<vmem>>
        %dma_wait3A_774 = tpu.memref_squeeze %dma_wait3A_773 : memref<1x128xi32, #tpu.memory_space<vmem>> -> memref<128xi32, #tpu.memory_space<vmem>>
        %dma_wait3A_775 = arith.constant 0 : i32
        %dma_wait3A_776 = tpu.memref_slice %arg7[%dma_wait3A_775] : memref<1600000xf32, #tpu.memory_space<vmem_shared>> -> memref<1600000xf32, #tpu.memory_space<vmem_shared>>
        tpu.wait_indirect_dma semaphore(%arg17 : memref<!tpu.dma_semaphore, #tpu.memory_space<semaphore_mem>>) src(%dma_wait3A_771 : memref<128xf32, #tpu.memory_space<vmem>>) dst(%dma_wait3A_776 : memref<1600000xf32, #tpu.memory_space<vmem_shared>>)
        %dma_wait3A_777 = arith.constant 37 : i32
        %dma_wait3A_778 = arith.constant 4736 : i32
        %dma_wait3A_779 = tpu.memref_slice %arg14[%dma_wait3A_778] : memref<5120xf32, #tpu.memory_space<vmem>> -> memref<128xf32, #tpu.memory_space<vmem>>
        %dma_wait3A_780 = arith.constant 0 : i32
        %dma_wait3A_781 = tpu.memref_slice %arg15[%dma_wait3A_777, %dma_wait3A_780] : memref<40x128xi32, #tpu.memory_space<vmem>> -> memref<1x128xi32, #tpu.memory_space<vmem>>
        %dma_wait3A_782 = tpu.memref_squeeze %dma_wait3A_781 : memref<1x128xi32, #tpu.memory_space<vmem>> -> memref<128xi32, #tpu.memory_space<vmem>>
        %dma_wait3A_783 = arith.constant 0 : i32
        %dma_wait3A_784 = tpu.memref_slice %arg7[%dma_wait3A_783] : memref<1600000xf32, #tpu.memory_space<vmem_shared>> -> memref<1600000xf32, #tpu.memory_space<vmem_shared>>
        tpu.wait_indirect_dma semaphore(%arg17 : memref<!tpu.dma_semaphore, #tpu.memory_space<semaphore_mem>>) src(%dma_wait3A_779 : memref<128xf32, #tpu.memory_space<vmem>>) dst(%dma_wait3A_784 : memref<1600000xf32, #tpu.memory_space<vmem_shared>>)
        %dma_wait3A_785 = arith.constant 38 : i32
        %dma_wait3A_786 = arith.constant 4864 : i32
        %dma_wait3A_787 = tpu.memref_slice %arg14[%dma_wait3A_786] : memref<5120xf32, #tpu.memory_space<vmem>> -> memref<128xf32, #tpu.memory_space<vmem>>
        %dma_wait3A_788 = arith.constant 0 : i32
        %dma_wait3A_789 = tpu.memref_slice %arg15[%dma_wait3A_785, %dma_wait3A_788] : memref<40x128xi32, #tpu.memory_space<vmem>> -> memref<1x128xi32, #tpu.memory_space<vmem>>
        %dma_wait3A_790 = tpu.memref_squeeze %dma_wait3A_789 : memref<1x128xi32, #tpu.memory_space<vmem>> -> memref<128xi32, #tpu.memory_space<vmem>>
        %dma_wait3A_791 = arith.constant 0 : i32
        %dma_wait3A_792 = tpu.memref_slice %arg7[%dma_wait3A_791] : memref<1600000xf32, #tpu.memory_space<vmem_shared>> -> memref<1600000xf32, #tpu.memory_space<vmem_shared>>
        tpu.wait_indirect_dma semaphore(%arg17 : memref<!tpu.dma_semaphore, #tpu.memory_space<semaphore_mem>>) src(%dma_wait3A_787 : memref<128xf32, #tpu.memory_space<vmem>>) dst(%dma_wait3A_792 : memref<1600000xf32, #tpu.memory_space<vmem_shared>>)
        %dma_wait3A_793 = arith.constant 39 : i32
        %dma_wait3A_794 = arith.constant 4992 : i32
        %dma_wait3A_795 = tpu.memref_slice %arg14[%dma_wait3A_794] : memref<5120xf32, #tpu.memory_space<vmem>> -> memref<128xf32, #tpu.memory_space<vmem>>
        %dma_wait3A_796 = arith.constant 0 : i32
        %dma_wait3A_797 = tpu.memref_slice %arg15[%dma_wait3A_793, %dma_wait3A_796] : memref<40x128xi32, #tpu.memory_space<vmem>> -> memref<1x128xi32, #tpu.memory_space<vmem>>
        %dma_wait3A_798 = tpu.memref_squeeze %dma_wait3A_797 : memref<1x128xi32, #tpu.memory_space<vmem>> -> memref<128xi32, #tpu.memory_space<vmem>>
        %dma_wait3A_799 = arith.constant 0 : i32
        %dma_wait3A_800 = tpu.memref_slice %arg7[%dma_wait3A_799] : memref<1600000xf32, #tpu.memory_space<vmem_shared>> -> memref<1600000xf32, #tpu.memory_space<vmem_shared>>
        tpu.wait_indirect_dma semaphore(%arg17 : memref<!tpu.dma_semaphore, #tpu.memory_space<semaphore_mem>>) src(%dma_wait3A_795 : memref<128xf32, #tpu.memory_space<vmem>>) dst(%dma_wait3A_800 : memref<1600000xf32, #tpu.memory_space<vmem_shared>>)
      } else {
      }
    }
    %scan3A_18 = arith.constant 40 : i32
    %barrier3A_19 = arith.constant 0 : index
    tpu.barrier barrier_id(%barrier3A_19)
    %scan3A_20 = arith.constant 0 : i32
    %scan3A_21 = arith.constant 25 : i32
    %scan3A_22 = arith.addi %scan3A_20, %scan3A_21 : i32
    %scan3A_23 = arith.constant 1 : i32
    scf.for %scan3A_25 = %scan3A_20 to %scan3A_22 step %scan3A_23  : i32 {
      %mul3A = arith.constant 16 : i32
      %mul3A_26 = arith.muli %scan3A_25, %mul3A : i32
      %add3A = arith.addi %arg1, %mul3A_26 : i32
      %mul3A_27 = arith.constant 4000 : i32
      %mul3A_28 = arith.muli %add3A, %mul3A_27 : i32
      %mul3A_29 = arith.constant 4000 : i32
      %mul3A_30 = arith.muli %add3A, %mul3A_29 : i32
      "tpu.region"() ({
        %run_scoped3A = tpu.sem_alloc : memref<!tpu.dma_semaphore, #tpu.memory_space<semaphore_mem>>
        %dma_start3A = tpu.memref_slice %arg6[%arg0, %mul3A_30] : memref<2x1600000xf32, #tpu.memory_space<hbm>> -> memref<1x4000xf32, #tpu.memory_space<hbm>>
        %dma_start3A_31 = tpu.memref_squeeze %dma_start3A : memref<1x4000xf32, #tpu.memory_space<hbm>> -> memref<4000xf32, #tpu.memory_space<hbm>>
        %dma_start3A_32 = tpu.memref_slice %arg7[%mul3A_28] : memref<1600000xf32, #tpu.memory_space<vmem_shared>> -> memref<4000xf32, #tpu.memory_space<vmem_shared>>
        tpu.enqueue_dma source(%dma_start3A_32 : memref<4000xf32, #tpu.memory_space<vmem_shared>>) target(%dma_start3A_31 : memref<4000xf32, #tpu.memory_space<hbm>>) target_semaphore(%run_scoped3A : memref<!tpu.dma_semaphore, #tpu.memory_space<semaphore_mem>>)
        %dma_wait3A = tpu.memref_slice %arg6[%arg0, %mul3A_30] : memref<2x1600000xf32, #tpu.memory_space<hbm>> -> memref<1x4000xf32, #tpu.memory_space<hbm>>
        %dma_wait3A_33 = tpu.memref_squeeze %dma_wait3A : memref<1x4000xf32, #tpu.memory_space<hbm>> -> memref<4000xf32, #tpu.memory_space<hbm>>
        %dma_wait3A_34 = tpu.memref_slice %arg7[%mul3A_28] : memref<1600000xf32, #tpu.memory_space<vmem_shared>> -> memref<4000xf32, #tpu.memory_space<vmem_shared>>
        tpu.wait_dma2 semaphore(%run_scoped3A : memref<!tpu.dma_semaphore, #tpu.memory_space<semaphore_mem>>) src(%dma_wait3A_34 : memref<4000xf32, #tpu.memory_space<vmem_shared>>) dst(%dma_wait3A_33 : memref<4000xf32, #tpu.memory_space<hbm>>)
        tpu.yield
      }) : () -> ()
    }
    %scan3A_24 = arith.constant 25 : i32
    return
  }
}

module attributes {stable_mosaic.version = 14 : i64} {
  func.func @_radial_kernel(%arg0: i32, %arg1: memref<8xf32, #tpu.memory_space<smem>>, %arg2: memref<8xf32, #tpu.memory_space<smem>>, %arg3: memref<8xf32, #tpu.memory_space<smem>>, %arg4: memref<3125x128xf32, #tpu.memory_space<vmem>>, %arg5: memref<3125x128xf32, #tpu.memory_space<vmem>>, %arg6: memref<2x1x3125x128xf32, #tpu.memory_space<vmem>>) attributes {dimension_semantics = [#tpu.dimension_semantics<arbitrary>], iteration_bounds = array<i64: 8>, scalar_prefetch = 0 : i64, scratch_operands = 0 : i64, tpu.core_type = #tpu.core_type<tc>, window_params = [{transform_indices = @transform_0, window_bounds = array<i64: 8>}, {transform_indices = @transform_1, window_bounds = array<i64: 8>}, {transform_indices = @transform_2, window_bounds = array<i64: 8>}, {pipeline_mode = #tpu.pipeline_mode<synchronous>, transform_indices = @transform_3, window_bounds = array<i64: 3125, 128>}, {pipeline_mode = #tpu.pipeline_mode<synchronous>, transform_indices = @transform_4, window_bounds = array<i64: 3125, 128>}, {transform_indices = @transform_5, window_bounds = array<i64: 2, 1, 3125, 128>}]} {
    %get3A = arith.index_cast %arg0 : i32 to index
    %get3A_0 = memref.load %arg1[%get3A] : memref<8xf32, #tpu.memory_space<smem>>
    %get3A_1 = arith.index_cast %arg0 : i32 to index
    %get3A_2 = memref.load %arg2[%get3A_1] : memref<8xf32, #tpu.memory_space<smem>>
    %get3A_3 = arith.index_cast %arg0 : i32 to index
    %get3A_4 = memref.load %arg3[%get3A_3] : memref<8xf32, #tpu.memory_space<smem>>
    %get3A_5 = arith.constant 0 : index
    %get3A_6 = arith.constant 0 : index
    %get3A_7 = vector.load %arg4[%get3A_5, %get3A_6] : memref<3125x128xf32, #tpu.memory_space<vmem>>, vector<3125x128xf32>
    %neg3A = arith.constant 0.000000e+00 : f32
    %neg3A_8 = arith.subf %neg3A, %get3A_4 : f32
    %sub3A = vector.broadcast %get3A_2 : f32 to vector<3125x128xf32>
    %sub3A_9 = arith.subf %get3A_7, %sub3A : vector<3125x128xf32>
    %integer_pow3A = arith.mulf %sub3A_9, %sub3A_9 : vector<3125x128xf32>
    %mul3A = vector.broadcast %neg3A_8 : f32 to vector<3125x128xf32>
    %mul3A_10 = arith.mulf %mul3A, %integer_pow3A : vector<3125x128xf32>
    %exp3A = math.exp %mul3A_10 : vector<3125x128xf32>
    %mul3A_11 = arith.constant 3.14159274 : f32
    %mul3A_12 = vector.broadcast %mul3A_11 : f32 to vector<3125x128xf32>
    %mul3A_13 = arith.mulf %mul3A_12, %get3A_7 : vector<3125x128xf32>
    %div3A = vector.broadcast %get3A_0 : f32 to vector<3125x128xf32>
    %div3A_14 = arith.divf %mul3A_13, %div3A : vector<3125x128xf32>
    %cos3A = math.cos %div3A_14 : vector<3125x128xf32>
    %add3A = arith.constant 1.000000e+00 : f32
    %add3A_15 = vector.broadcast %add3A : f32 to vector<3125x128xf32>
    %add3A_16 = arith.addf %cos3A, %add3A_15 : vector<3125x128xf32>
    %mul3A_17 = arith.constant 5.000000e-01 : f32
    %mul3A_18 = vector.broadcast %mul3A_17 : f32 to vector<3125x128xf32>
    %mul3A_19 = arith.mulf %mul3A_18, %add3A_16 : vector<3125x128xf32>
    %lt3A = vector.broadcast %get3A_0 : f32 to vector<3125x128xf32>
    %lt3A_20 = arith.cmpf olt, %get3A_7, %lt3A : vector<3125x128xf32>
    %jit3A = arith.constant 0.000000e+00 : f32
    %broadcast_in_dim3A = vector.broadcast %jit3A : f32 to vector<3125x128xf32>
    %select_n3A = arith.select %lt3A_20, %mul3A_19, %broadcast_in_dim3A : vector<3125x128xi1>, vector<3125x128xf32>
    %mul3A_21 = arith.mulf %exp3A, %select_n3A : vector<3125x128xf32>
    %swap3A = arith.constant 0 : index
    %swap3A_22 = arith.constant 0 : index
    %swap3A_23 = arith.constant 0 : index
    %swap3A_24 = arith.constant 0 : index
    %swap3A_25 = vector.load %arg6[%swap3A, %swap3A_22, %swap3A_23, %swap3A_24] : memref<2x1x3125x128xf32, #tpu.memory_space<vmem>>, vector<1x1x3125x128xf32>
    %swap3A_26 = vector.shape_cast %swap3A_25 : vector<1x1x3125x128xf32> to vector<3125x128xf32>
    %swap3A_27 = vector.shape_cast %mul3A_21 : vector<3125x128xf32> to vector<1x1x3125x128xf32>
    tpu.vector_store %arg6[%swap3A, %swap3A_22, %swap3A_23, %swap3A_24], %swap3A_27 {strides = array<i32>} : memref<2x1x3125x128xf32, #tpu.memory_space<vmem>>, vector<1x1x3125x128xf32>,
    %get3A_28 = arith.constant 0 : index
    %get3A_29 = arith.constant 0 : index
    %get3A_30 = vector.load %arg5[%get3A_28, %get3A_29] : memref<3125x128xf32, #tpu.memory_space<vmem>>, vector<3125x128xf32>
    %neg3A_31 = arith.constant 0.000000e+00 : f32
    %neg3A_32 = arith.subf %neg3A_31, %get3A_4 : f32
    %sub3A_33 = vector.broadcast %get3A_2 : f32 to vector<3125x128xf32>
    %sub3A_34 = arith.subf %get3A_30, %sub3A_33 : vector<3125x128xf32>
    %integer_pow3A_35 = arith.mulf %sub3A_34, %sub3A_34 : vector<3125x128xf32>
    %mul3A_36 = vector.broadcast %neg3A_32 : f32 to vector<3125x128xf32>
    %mul3A_37 = arith.mulf %mul3A_36, %integer_pow3A_35 : vector<3125x128xf32>
    %exp3A_38 = math.exp %mul3A_37 : vector<3125x128xf32>
    %mul3A_39 = arith.constant 3.14159274 : f32
    %mul3A_40 = vector.broadcast %mul3A_39 : f32 to vector<3125x128xf32>
    %mul3A_41 = arith.mulf %mul3A_40, %get3A_30 : vector<3125x128xf32>
    %div3A_42 = vector.broadcast %get3A_0 : f32 to vector<3125x128xf32>
    %div3A_43 = arith.divf %mul3A_41, %div3A_42 : vector<3125x128xf32>
    %cos3A_44 = math.cos %div3A_43 : vector<3125x128xf32>
    %add3A_45 = arith.constant 1.000000e+00 : f32
    %add3A_46 = vector.broadcast %add3A_45 : f32 to vector<3125x128xf32>
    %add3A_47 = arith.addf %cos3A_44, %add3A_46 : vector<3125x128xf32>
    %mul3A_48 = arith.constant 5.000000e-01 : f32
    %mul3A_49 = vector.broadcast %mul3A_48 : f32 to vector<3125x128xf32>
    %mul3A_50 = arith.mulf %mul3A_49, %add3A_47 : vector<3125x128xf32>
    %lt3A_51 = vector.broadcast %get3A_0 : f32 to vector<3125x128xf32>
    %lt3A_52 = arith.cmpf olt, %get3A_30, %lt3A_51 : vector<3125x128xf32>
    %jit3A_53 = arith.constant 0.000000e+00 : f32
    %broadcast_in_dim3A_54 = vector.broadcast %jit3A_53 : f32 to vector<3125x128xf32>
    %select_n3A_55 = arith.select %lt3A_52, %mul3A_50, %broadcast_in_dim3A_54 : vector<3125x128xi1>, vector<3125x128xf32>
    %mul3A_56 = arith.mulf %exp3A_38, %select_n3A_55 : vector<3125x128xf32>
    %swap3A_57 = arith.constant 1 : index
    %swap3A_58 = arith.constant 0 : index
    %swap3A_59 = arith.constant 0 : index
    %swap3A_60 = arith.constant 0 : index
    %swap3A_61 = vector.load %arg6[%swap3A_57, %swap3A_58, %swap3A_59, %swap3A_60] : memref<2x1x3125x128xf32, #tpu.memory_space<vmem>>, vector<1x1x3125x128xf32>
    %swap3A_62 = vector.shape_cast %swap3A_61 : vector<1x1x3125x128xf32> to vector<3125x128xf32>
    %swap3A_63 = vector.shape_cast %mul3A_56 : vector<3125x128xf32> to vector<1x1x3125x128xf32>
    tpu.vector_store %arg6[%swap3A_57, %swap3A_58, %swap3A_59, %swap3A_60], %swap3A_63 {strides = array<i32>} : memref<2x1x3125x128xf32, #tpu.memory_space<vmem>>, vector<1x1x3125x128xf32>,
    return
  }
  func.func @transform_0(%arg0: i32) -> i32 {
    %c0_i32 = arith.constant 0 : i32
    %c0_i32_0 = arith.constant 0 : i32
    return %c0_i32 : i32
  }
  func.func @transform_1(%arg0: i32) -> i32 {
    %c0_i32 = arith.constant 0 : i32
    %c0_i32_0 = arith.constant 0 : i32
    return %c0_i32 : i32
  }
  func.func @transform_2(%arg0: i32) -> i32 {
    %c0_i32 = arith.constant 0 : i32
    %c0_i32_0 = arith.constant 0 : i32
    return %c0_i32 : i32
  }
  func.func @transform_3(%arg0: i32) -> (i32, i32) {
    %c0_i32 = arith.constant 0 : i32
    %c0_i32_0 = arith.constant 0 : i32
    %c0_i32_1 = arith.constant 0 : i32
    return %c0_i32, %c0_i32_0 : i32, i32
  }
  func.func @transform_4(%arg0: i32) -> (i32, i32) {
    %c0_i32 = arith.constant 0 : i32
    %c0_i32_0 = arith.constant 0 : i32
    %c0_i32_1 = arith.constant 0 : i32
    return %c0_i32, %c0_i32_0 : i32, i32
  }
  func.func @transform_5(%arg0: i32) -> (i32, i32, i32, i32) {
    %c0_i32 = arith.constant 0 : i32
    %c0_i32_0 = arith.constant 0 : i32
    %c0_i32_1 = arith.constant 0 : i32
    %c0_i32_2 = arith.constant 0 : i32
    return %c0_i32, %arg0, %c0_i32_0, %c0_i32_1 : i32, i32, i32, i32
  }
}

module attributes {stable_mosaic.version = 14 : i64} {
  func.func @_pack_kernel(%arg0: memref<8xf32, #tpu.memory_space<smem>>, %arg1: memref<391x128xf32, #tpu.memory_space<vmem>>, %arg2: memref<391x128xi32, #tpu.memory_space<vmem>>) attributes {dimension_semantics = [], scalar_prefetch = 0 : i64, scratch_operands = 0 : i64, tpu.core_type = #tpu.core_type<tc>} {
    %get3A = arith.constant 0 : index
    %get3A_0 = arith.constant 0 : index
    %get3A_1 = vector.load %arg1[%get3A, %get3A_0] : memref<391x128xf32, #tpu.memory_space<vmem>>, vector<391x128xf32>
    %broadcast_in_dim3A = arith.constant 0 : i32
    %broadcast_in_dim3A_2 = vector.broadcast %broadcast_in_dim3A : i32 to vector<391x128xi32>
    %broadcast_in_dim3A_3 = arith.constant false
    %broadcast_in_dim3A_4 = vector.broadcast %broadcast_in_dim3A_3 : i1 to vector<391x128xi1>
    %get3A_5 = arith.constant 0 : index
    %get3A_6 = memref.load %arg0[%get3A_5] : memref<8xf32, #tpu.memory_space<smem>>
    %eq3A = vector.broadcast %get3A_6 : f32 to vector<391x128xf32>
    %eq3A_7 = arith.cmpf oeq, %get3A_1, %eq3A : vector<391x128xf32>
    %jit3A = arith.constant 0 : i32
    %broadcast_in_dim3A_8 = vector.broadcast %jit3A : i32 to vector<391x128xi32>
    %select_n3A = arith.select %eq3A_7, %broadcast_in_dim3A_8, %broadcast_in_dim3A_2 : vector<391x128xi1>, vector<391x128xi32>
    %or3A = arith.ori %broadcast_in_dim3A_4, %eq3A_7 : vector<391x128xi1>
    %get3A_9 = arith.constant 1 : index
    %get3A_10 = memref.load %arg0[%get3A_9] : memref<8xf32, #tpu.memory_space<smem>>
    %eq3A_11 = vector.broadcast %get3A_10 : f32 to vector<391x128xf32>
    %eq3A_12 = arith.cmpf oeq, %get3A_1, %eq3A_11 : vector<391x128xf32>
    %jit3A_13 = arith.constant 1 : i32
    %broadcast_in_dim3A_14 = vector.broadcast %jit3A_13 : i32 to vector<391x128xi32>
    %select_n3A_15 = arith.select %eq3A_12, %broadcast_in_dim3A_14, %select_n3A : vector<391x128xi1>, vector<391x128xi32>
    %or3A_16 = arith.ori %or3A, %eq3A_12 : vector<391x128xi1>
    %get3A_17 = arith.constant 2 : index
    %get3A_18 = memref.load %arg0[%get3A_17] : memref<8xf32, #tpu.memory_space<smem>>
    %eq3A_19 = vector.broadcast %get3A_18 : f32 to vector<391x128xf32>
    %eq3A_20 = arith.cmpf oeq, %get3A_1, %eq3A_19 : vector<391x128xf32>
    %jit3A_21 = arith.constant 2 : i32
    %broadcast_in_dim3A_22 = vector.broadcast %jit3A_21 : i32 to vector<391x128xi32>
    %select_n3A_23 = arith.select %eq3A_20, %broadcast_in_dim3A_22, %select_n3A_15 : vector<391x128xi1>, vector<391x128xi32>
    %or3A_24 = arith.ori %or3A_16, %eq3A_20 : vector<391x128xi1>
    %get3A_25 = arith.constant 3 : index
    %get3A_26 = memref.load %arg0[%get3A_25] : memref<8xf32, #tpu.memory_space<smem>>
    %eq3A_27 = vector.broadcast %get3A_26 : f32 to vector<391x128xf32>
    %eq3A_28 = arith.cmpf oeq, %get3A_1, %eq3A_27 : vector<391x128xf32>
    %jit3A_29 = arith.constant 3 : i32
    %broadcast_in_dim3A_30 = vector.broadcast %jit3A_29 : i32 to vector<391x128xi32>
    %select_n3A_31 = arith.select %eq3A_28, %broadcast_in_dim3A_30, %select_n3A_23 : vector<391x128xi1>, vector<391x128xi32>
    %or3A_32 = arith.ori %or3A_24, %eq3A_28 : vector<391x128xi1>
    %get3A_33 = arith.constant 4 : index
    %get3A_34 = memref.load %arg0[%get3A_33] : memref<8xf32, #tpu.memory_space<smem>>
    %eq3A_35 = vector.broadcast %get3A_34 : f32 to vector<391x128xf32>
    %eq3A_36 = arith.cmpf oeq, %get3A_1, %eq3A_35 : vector<391x128xf32>
    %jit3A_37 = arith.constant 4 : i32
    %broadcast_in_dim3A_38 = vector.broadcast %jit3A_37 : i32 to vector<391x128xi32>
    %select_n3A_39 = arith.select %eq3A_36, %broadcast_in_dim3A_38, %select_n3A_31 : vector<391x128xi1>, vector<391x128xi32>
    %or3A_40 = arith.ori %or3A_32, %eq3A_36 : vector<391x128xi1>
    %get3A_41 = arith.constant 5 : index
    %get3A_42 = memref.load %arg0[%get3A_41] : memref<8xf32, #tpu.memory_space<smem>>
    %eq3A_43 = vector.broadcast %get3A_42 : f32 to vector<391x128xf32>
    %eq3A_44 = arith.cmpf oeq, %get3A_1, %eq3A_43 : vector<391x128xf32>
    %jit3A_45 = arith.constant 5 : i32
    %broadcast_in_dim3A_46 = vector.broadcast %jit3A_45 : i32 to vector<391x128xi32>
    %select_n3A_47 = arith.select %eq3A_44, %broadcast_in_dim3A_46, %select_n3A_39 : vector<391x128xi1>, vector<391x128xi32>
    %or3A_48 = arith.ori %or3A_40, %eq3A_44 : vector<391x128xi1>
    %get3A_49 = arith.constant 6 : index
    %get3A_50 = memref.load %arg0[%get3A_49] : memref<8xf32, #tpu.memory_space<smem>>
    %eq3A_51 = vector.broadcast %get3A_50 : f32 to vector<391x128xf32>
    %eq3A_52 = arith.cmpf oeq, %get3A_1, %eq3A_51 : vector<391x128xf32>
    %jit3A_53 = arith.constant 6 : i32
    %broadcast_in_dim3A_54 = vector.broadcast %jit3A_53 : i32 to vector<391x128xi32>
    %select_n3A_55 = arith.select %eq3A_52, %broadcast_in_dim3A_54, %select_n3A_47 : vector<391x128xi1>, vector<391x128xi32>
    %or3A_56 = arith.ori %or3A_48, %eq3A_52 : vector<391x128xi1>
    %get3A_57 = arith.constant 7 : index
    %get3A_58 = memref.load %arg0[%get3A_57] : memref<8xf32, #tpu.memory_space<smem>>
    %eq3A_59 = vector.broadcast %get3A_58 : f32 to vector<391x128xf32>
    %eq3A_60 = arith.cmpf oeq, %get3A_1, %eq3A_59 : vector<391x128xf32>
    %jit3A_61 = arith.constant 7 : i32
    %broadcast_in_dim3A_62 = vector.broadcast %jit3A_61 : i32 to vector<391x128xi32>
    %select_n3A_63 = arith.select %eq3A_60, %broadcast_in_dim3A_62, %select_n3A_55 : vector<391x128xi1>, vector<391x128xi32>
    %or3A_64 = arith.ori %or3A_56, %eq3A_60 : vector<391x128xi1>
    %jit3A_65 = arith.constant 0.000000e+00 : f32
    %broadcast_in_dim3A_66 = vector.broadcast %jit3A_65 : f32 to vector<391x128xf32>
    %select_n3A_67 = arith.select %or3A_64, %get3A_1, %broadcast_in_dim3A_66 : vector<391x128xi1>, vector<391x128xf32>
    %convert_element_type3A = arith.fptosi %select_n3A_67 : vector<391x128xf32> to vector<391x128xi32>
    %mul3A = arith.constant 8 : i32
    %mul3A_68 = vector.broadcast %mul3A : i32 to vector<391x128xi32>
    %mul3A_69 = arith.muli %convert_element_type3A, %mul3A_68 : vector<391x128xi32>
    %add3A = arith.addi %mul3A_69, %select_n3A_63 : vector<391x128xi32>
    %swap3A = arith.constant 0 : index
    %swap3A_70 = arith.constant 0 : index
    %swap3A_71 = vector.load %arg2[%swap3A, %swap3A_70] : memref<391x128xi32, #tpu.memory_space<vmem>>, vector<391x128xi32>
    tpu.vector_store %arg2[%swap3A, %swap3A_70], %add3A {strides = array<i32>} : memref<391x128xi32, #tpu.memory_space<vmem>>, vector<391x128xi32>,
    return
  }
}

module attributes {stable_mosaic.version = 14 : i64} {
  func.func @_bn_stats_kernel(%arg0: i32, %arg1: i32, %arg2: memref<1x125x4x128xf32, #tpu.memory_space<vmem>>, %arg3: memref<1x1x128xf32, #tpu.memory_space<vmem>>, %arg4: memref<1x1x128xf32, #tpu.memory_space<vmem>>) attributes {dimension_semantics = [#tpu.dimension_semantics<arbitrary>, #tpu.dimension_semantics<arbitrary>], iteration_bounds = array<i64: 2, 25>, scalar_prefetch = 0 : i64, scratch_operands = 0 : i64, tpu.core_type = #tpu.core_type<tc>, window_params = [{transform_indices = @transform_0, window_bounds = array<i64: 1, 125, 4, 128>}, {transform_indices = @transform_1, window_bounds = array<i64: 1, 1, 128>}, {transform_indices = @transform_2, window_bounds = array<i64: 1, 1, 128>}]} {
    %get3A = arith.constant 0 : index
    %get3A_0 = arith.constant 0 : index
    %get3A_1 = arith.constant 0 : index
    %get3A_2 = arith.constant 0 : index
    %get3A_3 = vector.load %arg2[%get3A, %get3A_0, %get3A_1, %get3A_2] : memref<1x125x4x128xf32, #tpu.memory_space<vmem>>, vector<1x125x4x128xf32>
    %get3A_4 = vector.shape_cast %get3A_3 : vector<1x125x4x128xf32> to vector<125x4x128xf32>
    %reduce_sum3A = arith.constant dense<0.000000e+00> : vector<128xf32>
    %reduce_sum3A_5 = vector.multi_reduction <add>, %get3A_4, %reduce_sum3A [0, 1] : vector<125x4x128xf32> to vector<128xf32>
    %mul3A = arith.mulf %get3A_4, %get3A_4 : vector<125x4x128xf32>
    %reduce_sum3A_6 = arith.constant dense<0.000000e+00> : vector<128xf32>
    %reduce_sum3A_7 = vector.multi_reduction <add>, %mul3A, %reduce_sum3A_6 [0, 1] : vector<125x4x128xf32> to vector<128xf32>
    %eq3A = arith.constant 0 : i32
    %eq3A_8 = arith.cmpi eq, %arg1, %eq3A : i32
    %convert_element_type3A = arith.extui %eq3A_8 : i1 to i32
    %cond3A = arith.constant 0 : i32
    %cond3A_9 = arith.cmpi ne, %convert_element_type3A, %cond3A : i32
    scf.if %cond3A_9 {
      %swap3A = arith.constant 0 : index
      %swap3A_14 = arith.constant 0 : index
      %swap3A_15 = arith.constant 0 : index
      %swap3A_16 = vector.load %arg3[%swap3A, %swap3A_14, %swap3A_15] : memref<1x1x128xf32, #tpu.memory_space<vmem>>, vector<1x1x128xf32>
      %swap3A_17 = vector.shape_cast %swap3A_16 : vector<1x1x128xf32> to vector<128xf32>
      %swap3A_18 = vector.shape_cast %reduce_sum3A_5 : vector<128xf32> to vector<1x1x128xf32>
      tpu.vector_store %arg3[%swap3A, %swap3A_14, %swap3A_15], %swap3A_18 {strides = array<i32>} : memref<1x1x128xf32, #tpu.memory_space<vmem>>, vector<1x1x128xf32>,
      %swap3A_19 = arith.constant 0 : index
      %swap3A_20 = arith.constant 0 : index
      %swap3A_21 = arith.constant 0 : index
      %swap3A_22 = vector.load %arg4[%swap3A_19, %swap3A_20, %swap3A_21] : memref<1x1x128xf32, #tpu.memory_space<vmem>>, vector<1x1x128xf32>
      %swap3A_23 = vector.shape_cast %swap3A_22 : vector<1x1x128xf32> to vector<128xf32>
      %swap3A_24 = vector.shape_cast %reduce_sum3A_7 : vector<128xf32> to vector<1x1x128xf32>
      tpu.vector_store %arg4[%swap3A_19, %swap3A_20, %swap3A_21], %swap3A_24 {strides = array<i32>} : memref<1x1x128xf32, #tpu.memory_space<vmem>>, vector<1x1x128xf32>,
    } else {
    }
    %ne3A = arith.constant 0 : i32
    %ne3A_10 = arith.cmpi ne, %arg1, %ne3A : i32
    %convert_element_type3A_11 = arith.extui %ne3A_10 : i1 to i32
    %cond3A_12 = arith.constant 0 : i32
    %cond3A_13 = arith.cmpi ne, %convert_element_type3A_11, %cond3A_12 : i32
    scf.if %cond3A_13 {
      %get3A_14 = arith.constant 0 : index
      %get3A_15 = arith.constant 0 : index
      %get3A_16 = arith.constant 0 : index
      %get3A_17 = vector.load %arg3[%get3A_14, %get3A_15, %get3A_16] : memref<1x1x128xf32, #tpu.memory_space<vmem>>, vector<1x1x128xf32>
      %get3A_18 = vector.shape_cast %get3A_17 : vector<1x1x128xf32> to vector<128xf32>
      %add3A = arith.addf %get3A_18, %reduce_sum3A_5 : vector<128xf32>
      %swap3A = arith.constant 0 : index
      %swap3A_19 = arith.constant 0 : index
      %swap3A_20 = arith.constant 0 : index
      %swap3A_21 = vector.load %arg3[%swap3A, %swap3A_19, %swap3A_20] : memref<1x1x128xf32, #tpu.memory_space<vmem>>, vector<1x1x128xf32>
      %swap3A_22 = vector.shape_cast %swap3A_21 : vector<1x1x128xf32> to vector<128xf32>
      %swap3A_23 = vector.shape_cast %add3A : vector<128xf32> to vector<1x1x128xf32>
      tpu.vector_store %arg3[%swap3A, %swap3A_19, %swap3A_20], %swap3A_23 {strides = array<i32>} : memref<1x1x128xf32, #tpu.memory_space<vmem>>, vector<1x1x128xf32>,
      %get3A_24 = arith.constant 0 : index
      %get3A_25 = arith.constant 0 : index
      %get3A_26 = arith.constant 0 : index
      %get3A_27 = vector.load %arg4[%get3A_24, %get3A_25, %get3A_26] : memref<1x1x128xf32, #tpu.memory_space<vmem>>, vector<1x1x128xf32>
      %get3A_28 = vector.shape_cast %get3A_27 : vector<1x1x128xf32> to vector<128xf32>
      %add3A_29 = arith.addf %get3A_28, %reduce_sum3A_7 : vector<128xf32>
      %swap3A_30 = arith.constant 0 : index
      %swap3A_31 = arith.constant 0 : index
      %swap3A_32 = arith.constant 0 : index
      %swap3A_33 = vector.load %arg4[%swap3A_30, %swap3A_31, %swap3A_32] : memref<1x1x128xf32, #tpu.memory_space<vmem>>, vector<1x1x128xf32>
      %swap3A_34 = vector.shape_cast %swap3A_33 : vector<1x1x128xf32> to vector<128xf32>
      %swap3A_35 = vector.shape_cast %add3A_29 : vector<128xf32> to vector<1x1x128xf32>
      tpu.vector_store %arg4[%swap3A_30, %swap3A_31, %swap3A_32], %swap3A_35 {strides = array<i32>} : memref<1x1x128xf32, #tpu.memory_space<vmem>>, vector<1x1x128xf32>,
    } else {
    }
    return
  }
  func.func @transform_0(%arg0: i32, %arg1: i32) -> (i32, i32, i32, i32) {
    %c0_i32 = arith.constant 0 : i32
    %c0_i32_0 = arith.constant 0 : i32
    %c0_i32_1 = arith.constant 0 : i32
    return %arg0, %arg1, %c0_i32, %c0_i32_0 : i32, i32, i32, i32
  }
  func.func @transform_1(%arg0: i32, %arg1: i32) -> (i32, i32, i32) {
    %c0_i32 = arith.constant 0 : i32
    %c0_i32_0 = arith.constant 0 : i32
    %c0_i32_1 = arith.constant 0 : i32
    return %arg0, %c0_i32, %c0_i32_0 : i32, i32, i32
  }
  func.func @transform_2(%arg0: i32, %arg1: i32) -> (i32, i32, i32) {
    %c0_i32 = arith.constant 0 : i32
    %c0_i32_0 = arith.constant 0 : i32
    %c0_i32_1 = arith.constant 0 : i32
    return %arg0, %c0_i32, %c0_i32_0 : i32, i32, i32
  }
}

module attributes {stable_mosaic.version = 14 : i64} {
  func.func @_bn_apply_kernel(%arg0: i32, %arg1: memref<2x8000x4xf32, #tpu.memory_space<vmem>>, %arg2: memref<1x8x8xf32, #tpu.memory_space<vmem>>, %arg3: memref<1x8x8xf32, #tpu.memory_space<vmem>>, %arg4: memref<1000x8x8xf32, #tpu.memory_space<vmem>>) attributes {dimension_semantics = [#tpu.dimension_semantics<arbitrary>], iteration_bounds = array<i64: 50>, scalar_prefetch = 0 : i64, scratch_operands = 0 : i64, tpu.core_type = #tpu.core_type<tc>, window_params = [{transform_indices = @transform_0, window_bounds = array<i64: 2, 8000, 4>}, {pipeline_mode = #tpu.pipeline_mode<synchronous>, transform_indices = @transform_1, window_bounds = array<i64: 1, 8, 8>}, {pipeline_mode = #tpu.pipeline_mode<synchronous>, transform_indices = @transform_2, window_bounds = array<i64: 1, 8, 8>}, {transform_indices = @transform_3, window_bounds = array<i64: 1000, 8, 8>}]} {
    %get3A = arith.constant 0 : index
    %get3A_0 = arith.constant 0 : index
    %get3A_1 = arith.constant 0 : index
    %get3A_2 = vector.load %arg1[%get3A, %get3A_0, %get3A_1] : memref<2x8000x4xf32, #tpu.memory_space<vmem>>, vector<1x8000x4xf32>
    %get3A_3 = vector.shape_cast %get3A_2 : vector<1x8000x4xf32> to vector<8000x4xf32>
    %reshape3A = vector.shape_cast %get3A_3 : vector<8000x4xf32> to vector<1000x8x4xf32>
    %get3A_4 = arith.constant 1 : index
    %get3A_5 = arith.constant 0 : index
    %get3A_6 = arith.constant 0 : index
    %get3A_7 = vector.load %arg1[%get3A_4, %get3A_5, %get3A_6] : memref<2x8000x4xf32, #tpu.memory_space<vmem>>, vector<1x8000x4xf32>
    %get3A_8 = vector.shape_cast %get3A_7 : vector<1x8000x4xf32> to vector<8000x4xf32>
    %reshape3A_9 = vector.shape_cast %get3A_8 : vector<8000x4xf32> to vector<1000x8x4xf32>
    %concatenate3A = tpu.concatenate %reshape3A, %reshape3A_9 in 2 : vector<1000x8x4xf32>, vector<1000x8x4xf32> -> vector<1000x8x8xf32>
    %get3A_10 = arith.constant 0 : index
    %get3A_11 = arith.constant 0 : index
    %get3A_12 = arith.constant 0 : index
    %get3A_13 = vector.load %arg2[%get3A_10, %get3A_11, %get3A_12] : memref<1x8x8xf32, #tpu.memory_space<vmem>>, vector<1x8x8xf32>
    %mul3A = vector.broadcast %get3A_13 : vector<1x8x8xf32> to vector<1000x8x8xf32>
    %mul3A_14 = arith.mulf %concatenate3A, %mul3A : vector<1000x8x8xf32>
    %get3A_15 = arith.constant 0 : index
    %get3A_16 = arith.constant 0 : index
    %get3A_17 = arith.constant 0 : index
    %get3A_18 = vector.load %arg3[%get3A_15, %get3A_16, %get3A_17] : memref<1x8x8xf32, #tpu.memory_space<vmem>>, vector<1x8x8xf32>
    %add3A = vector.broadcast %get3A_18 : vector<1x8x8xf32> to vector<1000x8x8xf32>
    %add3A_19 = arith.addf %mul3A_14, %add3A : vector<1000x8x8xf32>
    %swap3A = arith.constant 0 : index
    %swap3A_20 = arith.constant 0 : index
    %swap3A_21 = arith.constant 0 : index
    %swap3A_22 = vector.load %arg4[%swap3A, %swap3A_20, %swap3A_21] : memref<1000x8x8xf32, #tpu.memory_space<vmem>>, vector<1000x8x8xf32>
    tpu.vector_store %arg4[%swap3A, %swap3A_20, %swap3A_21], %add3A_19 {strides = array<i32>} : memref<1000x8x8xf32, #tpu.memory_space<vmem>>, vector<1000x8x8xf32>,
    return
  }
  func.func @transform_0(%arg0: i32) -> (i32, i32, i32) {
    %c0_i32 = arith.constant 0 : i32
    %c0_i32_0 = arith.constant 0 : i32
    %c0_i32_1 = arith.constant 0 : i32
    return %c0_i32, %arg0, %c0_i32_0 : i32, i32, i32
  }
  func.func @transform_1(%arg0: i32) -> (i32, i32, i32) {
    %c0_i32 = arith.constant 0 : i32
    %c0_i32_0 = arith.constant 0 : i32
    %c0_i32_1 = arith.constant 0 : i32
    %c0_i32_2 = arith.constant 0 : i32
    return %c0_i32, %c0_i32_0, %c0_i32_1 : i32, i32, i32
  }
  func.func @transform_2(%arg0: i32) -> (i32, i32, i32) {
    %c0_i32 = arith.constant 0 : i32
    %c0_i32_0 = arith.constant 0 : i32
    %c0_i32_1 = arith.constant 0 : i32
    %c0_i32_2 = arith.constant 0 : i32
    return %c0_i32, %c0_i32_0, %c0_i32_1 : i32, i32, i32
  }
  func.func @transform_3(%arg0: i32) -> (i32, i32, i32) {
    %c0_i32 = arith.constant 0 : i32
    %c0_i32_0 = arith.constant 0 : i32
    %c0_i32_1 = arith.constant 0 : i32
    return %arg0, %c0_i32, %c0_i32_0 : i32, i32, i32
  }
}

</mosaic_0001>

<sc_bundles>
// kernel: kernel.7.cloned.1.call-start
scs
__scs_entry_jumppad:
0x0: {  	(pc) =	sbr.rel $0x88, $3  }
0x1: {  	(tag) =	ssettag $0x0;
	lr =	simm.s32 $0x1  }
0x2: {  	[smem:$0x3F98] =	sst lr;
	_ =	strace $0xD0000000  }
0x3: {  	_ = 	snop  }
0x4: {  	_ = 	snop  }
0x5: {  	_ = 	snop  }
0x6: {  	_ = 	snop  }
0x7: {  	_ = 	snop  }
__scs_overlays_trampoline_lowered:
0x8: {  	[smem:$0x3FA7] =	sst s0  }
0x9: {  	[smem:$0x3FA8] =	sst s1  }
0xa: {  	[smem:$0x3FA9] =	sst s2  }
0xb: {  	[smem:$0x3FAA] =	sst s3  }
0xc: {  	[smem:$0x3FAB] =	sst s4  }
0xd: {  	[smem:$0x3FAC] =	sst s5  }
0xe: {  	[smem:$0x3FAD] =	sst s6  }
0xf: {  	[smem:$0x3FAE] =	sst s7  }
0x10: {  	[smem:$0x3FAF] =	sst s8  }
0x11: {  	[smem:$0x3FB0] =	sst s9;
	s0 =	simm.s32 @!p0 $0x0  }
0x12: {  	s1 =	sld [smem:$0x3F96];
	s0 =	simm.s32 @p0 $0x1  }
0x13: {  	[smem:$0x3FB1] =	sst s0;
	s0 =	simm.s32 @!p1 $0x0  }
0x14: {  	s2 =	sld [smem:$0x3F95];
	s0 =	simm.s32 @p1 $0x1  }
0x15: {  	[smem:$0x3FB2] =	sst s0;
	s0 =	simm.s32 @!p2 $0x0  }
0x16: {  	s3 =	sld [smem:$0x3FDB];
	s0 =	simm.s32 @p2 $0x1  }
0x17: {  	s4 =	simm.s32 $0x1BF5;
	[smem:$0x3FB4] =	sst s0  }
0x18: {  	s0 =	sld [smem:$0x3F97];
	_ =	swait.ge [sflag:s4], $0x0  }
0x19: {  	s7 =	sld [smem:$0x3F98]  }
0x1a: {  	s8 =	sadd.s32 $0xFFFFE003, lr  }
0x1b: {  	s9 =	sadd.s32 $0xFFFFFEF7, lr;
	s5 =	simm.s32 $0xFFFFFFFF;
	p2 =	slt.u32 s8, $0xFFFFF086  }
0x1c: {  	p1 =	slt.u32 s9, $0xF7A;
	s5 =	simm.s32 @!p2 $0x0  }
0x1d: {  	s5 =	simm.s32 @p1 $0x1;
	p0 =	seq.s32 s7, s2  }
0x1e: {  	s7 =	smul.u32 @!p0 $0xF7A, s2;
	p2 =	seq.s32 @!p0 s5, $0x0  }
0x1f: {  	s9 =	smul.u32 $0xF7A, s1;
	s8 =	simm.s32 @!p0 $0x1BF5;
	p2 =	por !p2, p0  }
0x20: {  	[sflag:s8] =	ssyncset.s32 @!p0 $0xFFFFF086;
	s6 =	sadd.s32 @!p0 s3, s7;
	s7 =	simm.s32 @!p0 $0x108  }
0x21: {  	s3 =	sadd.s32 s3, s9;
	s6 =	sadd.s32 @!p0 $0x88, s6;
	s7 =	simm.s32 @p2 $0x1082  }
0x22: {  	[simem:s7], [sflag:s8] =	dma.local @!p0 [hbm:s6], $0xF7A  }
0x23: {  	s9 =	sor.u32 $0xD0000000, s2;
	s6 =	simm.s32 $0x108;
	_ =	swait.ge @!p0 [sflag:s8], $0x0  }
0x24: {  	s3 =	sadd.s32 $0x88, s3;
	s6 =	simm.s32 @!p1 $0x1082;
	[sflag:s4] =	ssyncset.s32 $0xFFFFF086  }
0x25: {  	[simem:s6], [sflag:s4] =	dma.local [hbm:s3], $0xF7A  }
0x26: {  	[smem:$0x3F98] =	sst s1;
	(tag) =	ssettag s2;
	_ =	strace s9  }
0x27: {  	s1 =	sld [smem:$0x3FA8]  }
0x28: {  	s2 =	sld [smem:$0x3FA9]  }
0x29: {  	s4 =	sld [smem:$0x3FAB]  }
0x2a: {  	p0 =	seq.s32 s5, $0x0;
	s5 =	sld [smem:$0x3FAC]  }
0x2b: {  	s6 =	sld [smem:$0x3FAD]  }
0x2c: {  	s7 =	sld [smem:$0x3FAE]  }
0x2d: {  	s3 =	simm.s32 $0x108;
	s8 =	sld [smem:$0x3FAF]  }
0x2e: {  	s3 =	simm.s32 @!p0 $0x1082;
	s9 =	sld [smem:$0x3FB0]  }
0x2f: {  	lr =	sadd.s32 s0, s3;
	s0 =	sld [smem:$0x3FA7]  }
0x30: {  	s3 =	sld [smem:$0x3FAA]  }
0x31: {  	[smem:$0x3FB3] =	sst s10  }
0x32: {  	s10 =	sld [smem:$0x3FB1];
	_ =	sdelay $0x3  }
0x33: {  	p0 =	seq.s32 s10, $0x1;
	s10 =	sld [smem:$0x3FB3];
	_ =	sdelay $0x3  }
0x34: {  	[smem:$0x3FB3] =	sst s10  }
0x35: {  	s10 =	sld [smem:$0x3FB2];
	_ =	sdelay $0x3  }
0x36: {  	p1 =	seq.s32 s10, $0x1;
	s10 =	sld [smem:$0x3FB3];
	_ =	sdelay $0x3  }
0x37: {  	[smem:$0x3FB3] =	sst s10  }
0x38: {  	s10 =	sld [smem:$0x3FB4]  }
0x39: {  	_ = 	snop;
	(pc) =	sbr.ind lr, $3  }
0x3a: {  	_ = 	snop  }
0x3b: {  	_ = 	snop  }
0x3c: {  	p2 =	seq.s32 s10, $0x1;
	s10 =	sld [smem:$0x3FB3]  }
0x3d: {  	_ =	shalt  }
0x3e: {  	_ =	shalt  }
0x3f: {  	_ =	shalt  }
0x40: {  	_ =	shalt  }
0x41: {  	_ =	shalt  }
0x42: {  	_ =	shalt  }
0x43: {  	_ =	shalt  }
0x44: {  	_ =	shalt  }
0x45: {  	_ =	shalt  }
0x46: {  	_ =	shalt  }
0x47: {  	_ =	shalt  }
0x48: {  	_ =	shalt  }
0x49: {  	_ =	shalt  }
0x4a: {  	_ =	shalt  }
0x4b: {  	_ =	shalt  }
0x4c: {  	_ =	shalt  }
0x4d: {  	_ =	shalt  }
0x4e: {  	_ =	shalt  }
0x4f: {  	_ =	shalt  }
0x50: {  	_ =	shalt  }
0x51: {  	_ =	shalt  }
0x52: {  	_ =	shalt  }
0x53: {  	_ =	shalt  }
0x54: {  	_ =	shalt  }
0x55: {  	_ =	shalt  }
0x56: {  	_ =	shalt  }
0x57: {  	_ =	shalt  }
0x58: {  	_ =	shalt  }
0x59: {  	_ =	shalt  }
0x5a: {  	_ =	shalt  }
0x5b: {  	_ =	shalt  }
0x5c: {  	_ =	shalt  }
0x5d: {  	_ =	shalt  }
0x5e: {  	_ =	shalt  }
0x5f: {  	_ =	shalt  }
0x60: {  	_ =	shalt  }
0x61: {  	_ =	shalt  }
0x62: {  	_ =	shalt  }
0x63: {  	_ =	shalt  }
0x64: {  	_ =	shalt  }
0x65: {  	_ =	shalt  }
0x66: {  	_ =	shalt  }
0x67: {  	_ =	shalt  }
0x68: {  	_ =	shalt  }
0x69: {  	_ =	shalt  }
0x6a: {  	_ =	shalt  }
0x6b: {  	_ =	shalt  }
0x6c: {  	_ =	shalt  }
0x6d: {  	_ =	shalt  }
0x6e: {  	_ =	shalt  }
0x6f: {  	_ =	shalt  }
0x70: {  	_ =	shalt  }
0x71: {  	_ =	shalt  }
0x72: {  	_ =	shalt  }
0x73: {  	_ =	shalt  }
0x74: {  	_ =	shalt  }
0x75: {  	_ =	shalt  }
0x76: {  	_ =	shalt  }
0x77: {  	_ =	shalt  }
0x78: {  	_ =	shalt  }
0x79: {  	_ =	shalt  }
0x7a: {  	_ =	shalt  }
0x7b: {  	_ =	shalt  }
0x7c: {  	_ =	shalt  }
0x7d: {  	_ =	shalt  }
0x7e: {  	_ =	shalt  }
0x7f: {  	_ =	shalt  }
0x80: {  	_ =	shalt  }
0x81: {  	_ =	shalt  }
0x82: {  	_ =	shalt  }
0x83: {  	_ =	shalt  }
0x84: {  	_ =	shalt  }
0x85: {  	_ =	shalt  }
0x86: {  	_ =	shalt  }
0x87: {  	_ =	shalt  }
.Lfunc_end0:
.L_simem_size_0:
called_computation_lowered:
.L_overlay_start_0:
0x88: {  	s2 =	sld [smem:$0x3FD9]  }
0x89: {  	s3 =	sld [smem:$0x3FFE];
	_ =	sdelay $0x1  }
0x8a: {  	s1 =	srdreg.scid  }
0x8b: {  	s0 =	sand.u32 $0x1, s1  }
0x8c: {  	s17 =	sshll.u32 s0, $0xA;
	s2 =	sadd.s32 s3, s2  }
0x8d: {  	s2 =	sadd.s32 s2, s17  }
0x8e: {  	[smem:$0x3FBF] =	sst s2  }
0x8f: {  	_ = 	snop  }
0x90: {  	s2 =	sld [smem:$0x3FD0];
	(tm) =	ssettm $0x1  }
0x91: {  	s18 =	sld [smem:$0x3FFB];
	_ =	sdelay $0x3  }
0x92: {  	_ =	strace s18  }
0x93: {  	s3 =	sld [smem:$0x3FFC];
	_ =	sdelay $0x3  }
0x94: {  	_ =	strace s3  }
0x95: {  	s3 =	sld [smem:$0x3FFD];
	_ =	sdelay $0x3  }
0x96: {  	_ =	strace s3  }
0x97: {  	_ =	strace $0x8FFFFFFF  }
0x98: {  	s19 =	sld [smem:$0x3FDB];
	_ =	sdelay $0x1  }
0x99: {  	s4 =	simm.s32 $_scs_section_size  }
0x9a: {  	s5 =	simm.s32 $_size__tile_overlayer_lowered;
	s6 =	simm.s32 $_tile_overlayer_lowered  }
0x9b: {  	s22 =	simm.s32 $0x1BFF;
	s21 =	sshll.u32 s6, $0x1;
	s3 =	sadd.s32 s4, s19  }
0x9c: {  	s7 =	simm.s32 $0x0;
	s20 =	sshll.u32 s5, $0x1;
	s5 =	sadd.s32 s21, s3  }
0x9d: {  	[timem:s7], [sflag:s22] =	dma.local [hbm:s5], s20  }
0x9e: {  	_ =	swait.ge [sflag:s22], s20  }
0x9f: {  	s4 =	ssub.s32 $0x0, s20;
	[sflag:s22] =	ssyncset.done $0x0  }
0xa0: {  	[sflag:s22] =	ssyncadd.s32 s4;
	_ =	sdelay $0x1  }
0xa1: {  	s23 =	simm.s32 $0x1B8B  }
0xa2: {  	_ =	swait.ge [sflag:s23], $0x1  }
0xa3: {  	[sflag:s23] =	ssyncset.done $0x0  }
0xa4: {  	s25 =	simm.s32 $0x1B8E;
	s24 =	sld [smem:$0x3FFE];
	[sflag:s23] =	ssyncadd.s32 $0xFFFFFFFF  }
0xa5: {  	s26 =	simm.s32 $execute0_lowered;
	[smem:$0x3FD2] =	sst s25  }
0xa6: {  	s5 =	sshll.u32 s26, $0x1;
	_ =	strace $0x80000046;
	[dreg:$0x1] =	wrdreg $0xFFFFFFFF  }
0xa7: {  	s28 =	simm.s32 $_size_execute0_lowered;
	s3 =	sadd.s32 s3, s5;
	[dreg:$0x0] =	wrdreg $0x0  }
0xa8: {  	s5 =	sshll.u32 s28, $0x1;
	[dreg:$0x2] =	wrdreg s3  }
0xa9: {  	[dreg:$0x3] =	wrdreg s5  }
0xaa: {  	[dreg:$0x4] =	wrdreg $0xC0  }
0xab: {  	_ =	task [dreg:s7], $0x5FFFF  }
0xac: {  	[dreg:$0x1] =	wrdreg $0xFFFFFFFF  }
0xad: {  	[dreg:$0x0] =	wrdreg $0x60  }
0xae: {  	[dreg:$0x2] =	wrdreg s24  }
0xaf: {  	[dreg:$0x3] =	wrdreg s2  }
0xb0: {  	[dreg:$0x4] =	wrdreg $0x0  }
0xb1: {  	[dreg:$0x5] =	wrdreg $0x9  }
0xb2: {  	_ =	task.clear_ibuf [dreg:s7], $0x6FFFF;
	_ =	strace $0x90000046  }
0xb3: {  	s29 =	simm.s32 $0x9;
	_ =	strace $0x80000048  }
0xb4: {  	_ =	swait.ge [sflag:s29], $0x1  }
0xb5: {  	[sflag:s29] =	ssyncadd.s32 $0xFFFFFFFF  }
0xb6: {  	_ =	strace $0x90000048  }
0xb7: {  	_ =	sfence  }
0xb8: {  	s30 =	sld [smem:$0x0];
	_ =	sdelay $0x2  }
0xb9: {  	s31 =	sshll.u32 s1, $0xD;
	s1 =	sshrl.u32 s1, $0x2  }
0xba: {  	s3 =	sand.u32 $0x4000, s31;
	s1 =	sadd.s32 s1, s30  }
0xbb: {  	s0 =	sor.u32 s3, s0;
	s1 =	sshll.u32 s1, $0x11  }
0xbc: {  	s0 =	sor.u32 s1, s0  }
0xbd: {  	s0 =	sadd.s32 $0x8F2B, s0  }
0xbe: {  	[sflag:s0] =	ssyncadd.remote.s32 $0x1  }
0xbf: {  	_ =	sfence.sel $0xFFFF  }
0xc0: {  	[dreg:$0x0] =	wrdreg $0xFFFFFFFF;
	(pc) =	sbr.abs _section_cstart, $3  }
0xc1: {  	[dreg:$0x1] =	wrdreg $0xFFFFFFFF  }
0xc2: {  	_ =	task.clear_ibuf [dreg:s7], $0x2FFFF;
	_ =	strace $0x9FFFFFFF  }
0xc3: {  	(tm) =	ssettm $0x7FFFFFFF  }
tec
execute0_lowered:
.L_overlay_start_1:
0x0: {  	(tag) =	ssettag $0x1  }
0x1: {  	s7 =	rddreg [dreg:$0x0]  }
0x2: {  	s0 =	rddreg [dreg:$0x1]  }
0x3: {  	s2 =	rddreg [dreg:$0x2];
	s28 =	simm.s32 $0x0;
	s1 =	srdreg.scid  }
0x4: {  	s4 =	stileid.u32;
	s12 =	simm.s32 $0x1B3A0;
	s13 =	simm.s32 $0x3  }
0x5: {  	s14 =	simm.s32 $0x186A0;
	s16 =	simm.s32 $0x80;
	s18 =	simm.s32 $0x1  }
0x6: {  	s15 =	simm.s32 $0x1C520;
	s17 =	simm.s32 $0x1D9A0;
	s19 =	simm.s32 $0x1C5A0  }
0x7: {  	s20 =	simm.s32 $0x1DA20;
	s21 =	simm.s32 $0x1C620;
	s22 =	simm.s32 $0x1DAA0  }
0x8: {  	s23 =	simm.s32 $0x1C6A0;
	s24 =	simm.s32 $0x1DB20;
	s25 =	simm.s32 $0x1C720  }
0x9: {  	s26 =	simm.s32 $0x2;
	[smem:$0x7FF] =	sst s28;
	s9 =	smul.u32 $0xFA0, s4  }
0xa: {  	s1 =	sand.u32 $0x1, s1;
	s5 =	sadd.s32 $0xF4800, s7;
	s11 =	smul.u32 $0x3E80, s4  }
0xb: {  	s6 =	sadd.s32 $0x18800, s7;
	s3 =	smul.u32 $0x186A00, s1;
	s8 =	ssub.s32 $0x2, s1  }
0xc: {  	s7 =	sadd.s32 $0x31000, s7;
	_ =	strace $0x80000047;
	s10 =	sshrl.u32 s8, $0x1  }
0xd: {  	s31 =	sshrl.u32 s11, $0x2;
	s10 =	ssub.s32 s8, s10;
	s29 =	sadd.s32 s9, s3  }
0xe: {  	v2 =	vlaneseq.u32;
	s8 =	smul.u32 $0x30D400, s1;
	s30 =	smax.u32 s10, $0x1;
	s1 =	sshrl.u32 s29, $0x3  }
0xf: {  	v0 =	vimm.f32 $0.0e+00;
	v1 =	vshrl.u32 v2, $0x2;
	v2 =	vand.u32 $0x3, v2;
	s10 =	sadd.s32 s31, s2;
	[dreg:$0x5] =	wrdreg s30;
	s11 =	sadd.s32 s1, s0  }
.LBB2_1:
0x10: {  	s0 =	simm.s32 $0x0  }
.LBB2_2:
0x11: {  	p0 =	sne.s32 s0, $0x4FC0  }
.Ltmp0:
0x12: {  	_ = 	snop;
	(pc) =	sbr.rel @p0 .LBB2_2-.Ltmp0, $3  }
0x13: {  	_ =	sdelay $0x1  }
0x14: {  	s3 =	sshra.s32 s0, $0x2  }
0x15: {  	s0 =	sadd.s32 $0x40, s0;
	[tilespmem:s3+$0x1B3A0] =	vst v0  }
0x16: {  	[dreg:$0x4] =	wrdreg s28;
	s0 =	sadd.s32 $0x0, s10  }
0x17: {  	[spmem:s0] =	stream.linear.scatter [tilespmem:s12], [sflag:$0x3], $0xFA0, $0x38;
	[tilespmem:$0x1DBA0] =	vst v63  }
0x18: {  	s0 =	simm.s32 $0x3E800;
	_ =	swait.ge [sflag:s13], $0xFA0  }
.LBB2_4:
0x19: {  	s3 =	sshra.s32 s0, $0x2;
	[sflag:s13] =	ssyncset.done $0x0;
	p0 =	sne.s32 s0, $0x5DC000  }
.Ltmp1:
0x1a: {  	s3 =	sadd.s32 s3, s10;
	[sflag:s13] =	ssyncadd.s32 $0xFFFFF060;
	(pc) =	sbr.rel @p0 .LBB2_4-.Ltmp1, $3  }
0x1b: {  	[spmem:s3] =	stream.linear.scatter [tilespmem:s12], [sflag:$0x3], $0xFA0, $0x38;
	[tilespmem:$0x1DBA0] =	vst v63  }
0x1c: {  	s0 =	sadd.s32 $0x3E800, s0;
	_ =	sdelay $0x1  }
0x1d: {  	_ =	swait.ge [sflag:s13], $0xFA0  }
.Ltmp2:
0x1e: {  	(pc) =	sbr.rel .LBB2_6-.Ltmp2, $4  }
0x1f: {  	[sflag:s13] =	ssyncset.done $0x0  }
0x20: {  	[sflag:s13] =	ssyncadd.s32 $0xFFFFF060  }
0x21: {  	[bflag:$0x0] =	sbarrier.arrive $0xFFFF  }
0x22: {  	s28 =	simm.s32 $0x0  }
.LBB2_12:
0x23: {  	s28 =	sadd.s32 $0x1, s28  }
0x24: {  	p0 =	sne.s32 s28, $0x28  }
.Ltmp3:
0x25: {  	_ = 	snop;
	(pc) =	sbr.rel @!p0 .LBB2_13-.Ltmp3, $1  }
0x26: {  	_ =	sdelay $0x3  }
.LBB2_6:
0x27: {  	s0 =	sshll.u32 s28, $0x4  }
0x28: {  	s0 =	sor.u32 s4, s0  }
0x29: {  	p0 =	sgt.u32 s0, $0x270  }
.Ltmp4:
0x2a: {  	_ = 	snop;
	(pc) =	sbr.rel @p0 .LBB2_12-.Ltmp4, $1  }
0x2b: {  	_ =	sdelay $0x3  }
0x2c: {  	s3 =	smul.u32 $0xA0, s0;
	_ =	sdelay $0x1  }
0x2d: {  	s29 =	simm.s32 $0x0;
	s9 =	sadd.s32 s6, s3  }
0x2e: {  	[tilespmem:s14], [sflag:$0x3] =	stream.linear.gather [hbm4b:s9+s29], $0x500, $0x38;
	[tilespmem:$0x1DBA0] =	vst v63  }
0x2f: {  	_ =	swait.ge [sflag:s13], $0x500  }
0x30: {  	[sflag:s13] =	ssyncset.done $0x0  }
0x31: {  	[sflag:s13] =	ssyncadd.s32 $0xFFFFFB00  }
0x32: {  	s1 =	rddreg [dreg:$0x0]  }
0x33: {  	s31 =	simm.s32 $0x18BA0;
	s3 =	sadd.s32 s1, s3  }
0x34: {  	[tilespmem:s31], [sflag:$0x3] =	stream.linear.gather [hbm4b:s3+s29], $0x500, $0x38;
	[tilespmem:$0x1DBA0] =	vst v63  }
0x35: {  	_ =	swait.ge [sflag:s13], $0x500  }
0x36: {  	[sflag:s13] =	ssyncset.done $0x0  }
0x37: {  	s9 =	simm.s32 $0x190A0;
	[sflag:s13] =	ssyncadd.s32 $0xFFFFFB00  }
0x38: {  	[tilespmem:s9], [sflag:$0x1] =	stream.indirect.gather [hbm4b:s7+s16], $0x1, s14, s16, $0xb8;
	[tilespmem:$0x1DBA0] =	vst v63  }
0x39: {  	s30 =	simm.s32 $0x18720;
	s31 =	simm.s32 $0x19120  }
0x3a: {  	[tilespmem:s31], [sflag:$0x1] =	stream.indirect.gather [hbm4b:s7+s16], $0x1, s30, s16, $0xb8;
	[tilespmem:$0x1DBA0] =	vst v63  }
0x3b: {  	s3 =	simm.s32 $0x187A0;
	s9 =	simm.s32 $0x191A0  }
0x3c: {  	[tilespmem:s9], [sflag:$0x1] =	stream.indirect.gather [hbm4b:s7+s16], $0x1, s3, s16, $0xb8;
	[tilespmem:$0x1DBA0] =	vst v63  }
0x3d: {  	s30 =	simm.s32 $0x18820;
	s31 =	simm.s32 $0x19220  }
0x3e: {  	[tilespmem:s31], [sflag:$0x1] =	stream.indirect.gather [hbm4b:s7+s16], $0x1, s30, s16, $0xb8;
	[tilespmem:$0x1DBA0] =	vst v63  }
0x3f: {  	s3 =	simm.s32 $0x188A0;
	s9 =	simm.s32 $0x192A0  }
0x40: {  	[tilespmem:s9], [sflag:$0x1] =	stream.indirect.gather [hbm4b:s7+s16], $0x1, s3, s16, $0xb8;
	[tilespmem:$0x1DBA0] =	vst v63  }
0x41: {  	s30 =	simm.s32 $0x18920;
	s31 =	simm.s32 $0x19320  }
0x42: {  	[tilespmem:s31], [sflag:$0x1] =	stream.indirect.gather [hbm4b:s7+s16], $0x1, s30, s16, $0xb8;
	[tilespmem:$0x1DBA0] =	vst v63  }
0x43: {  	s3 =	simm.s32 $0x189A0;
	s9 =	simm.s32 $0x193A0  }
0x44: {  	[tilespmem:s9], [sflag:$0x1] =	stream.indirect.gather [hbm4b:s7+s16], $0x1, s3, s16, $0xb8;
	[tilespmem:$0x1DBA0] =	vst v63  }
0x45: {  	s30 =	simm.s32 $0x18A20;
	s31 =	simm.s32 $0x19420  }
0x46: {  	[tilespmem:s31], [sflag:$0x1] =	stream.indirect.gather [hbm4b:s7+s16], $0x1, s30, s16, $0xb8;
	[tilespmem:$0x1DBA0] =	vst v63  }
0x47: {  	s9 =	simm.s32 $0x18AA0;
	s30 =	simm.s32 $0x194A0;
	s31 =	smul.u32 $0x1400, s0  }
0x48: {  	[tilespmem:s30], [sflag:$0x1] =	stream.indirect.gather [hbm4b:s7+s16], $0x1, s9, s16, $0xb8;
	[tilespmem:$0x1DBA0] =	vst v63  }
0x49: {  	s0 =	sadd.s32 s8, s31  }
0x4a: {  	s9 =	simm.s32 $0x18B20;
	s30 =	simm.s32 $0x19520;
	s0 =	sshrl.u32 s0, $0x3  }
0x4b: {  	[tilespmem:s30], [sflag:$0x1] =	stream.indirect.gather [hbm4b:s7+s16], $0x1, s9, s16, $0xb8;
	[tilespmem:$0x1DBA0] =	vst v63  }
0x4c: {  	s31 =	simm.s32 $0x19FA0;
	s0 =	sadd.s32 s5, s0  }
0x4d: {  	[tilespmem:s31], [sflag:$0x3] =	stream.linear.gather [hbm4b:s0+s29], $0x1400, $0x38;
	[tilespmem:$0x1DBA0] =	vst v63  }
0x4e: {  	_ =	swait.ge [sflag:s13], $0x1400  }
0x4f: {  	[sflag:s13] =	ssyncset.done $0x0  }
0x50: {  	[sflag:s13] =	ssyncadd.s32 $0xFFFFEC00  }
0x51: {  	_ =	swait.ge [sflag:s18], $0x80  }
0x52: {  	[sflag:s18] =	ssyncset.done $0x0  }
0x53: {  	[sflag:s18] =	ssyncadd.s32 $0xFFFFFF80  }
0x54: {  	_ =	swait.ge [sflag:s18], $0x80  }
0x55: {  	[sflag:s18] =	ssyncset.done $0x0  }
0x56: {  	[sflag:s18] =	ssyncadd.s32 $0xFFFFFF80  }
0x57: {  	_ =	swait.ge [sflag:s18], $0x80  }
0x58: {  	[sflag:s18] =	ssyncset.done $0x0  }
0x59: {  	[sflag:s18] =	ssyncadd.s32 $0xFFFFFF80  }
0x5a: {  	_ =	swait.ge [sflag:s18], $0x80  }
0x5b: {  	[sflag:s18] =	ssyncset.done $0x0  }
0x5c: {  	[sflag:s18] =	ssyncadd.s32 $0xFFFFFF80  }
0x5d: {  	_ =	swait.ge [sflag:s18], $0x80  }
0x5e: {  	[sflag:s18] =	ssyncset.done $0x0  }
0x5f: {  	[sflag:s18] =	ssyncadd.s32 $0xFFFFFF80  }
0x60: {  	_ =	swait.ge [sflag:s18], $0x80  }
0x61: {  	[sflag:s18] =	ssyncset.done $0x0  }
0x62: {  	[sflag:s18] =	ssyncadd.s32 $0xFFFFFF80  }
0x63: {  	_ =	swait.ge [sflag:s18], $0x80  }
0x64: {  	[sflag:s18] =	ssyncset.done $0x0  }
0x65: {  	[sflag:s18] =	ssyncadd.s32 $0xFFFFFF80  }
0x66: {  	_ =	swait.ge [sflag:s18], $0x80  }
0x67: {  	[sflag:s18] =	ssyncset.done $0x0  }
0x68: {  	[sflag:s18] =	ssyncadd.s32 $0xFFFFFF80  }
0x69: {  	_ =	swait.ge [sflag:s18], $0x80  }
0x6a: {  	[sflag:s18] =	ssyncset.done $0x0  }
0x6b: {  	[sflag:s18] =	ssyncadd.s32 $0xFFFFFF80  }
0x6c: {  	_ =	swait.ge [sflag:s18], $0x80  }
0x6d: {  	[sflag:s18] =	ssyncset.done $0x0  }
0x6e: {  	s0 =	simm.s32 $0x0;
	[sflag:s18] =	ssyncadd.s32 $0xFFFFFF80  }
0x6f: {  	v3 =	vld [tilespmem:s0+$0x190A0]  }
0x70: {  	v4 =	vld [tilespmem:s0+$0x18BA0];
	_ =	sdelay $0x1  }
0x71: {  	s9 =	simm.s32 $0x40  }
.LBB2_8:
0x72: {  	p0 =	sne.s32 s9, $0x13C0  }
.Ltmp5:
0x73: {  	s3 =	sshra.s32 s9, $0x2;
	s9 =	sadd.s32 $0x40, s9;
	v5 =	vshll.u32 v3, $0x2;
	v6 =	vshra.s32 v3, $0x3;
	(pc) =	sbr.rel @p0 .LBB2_8-.Ltmp5, $4  }
0x74: {  	v3 =	vld [tilespmem:s3+$0x190A0];
	v7 =	vshll.u32 v4, $0x5;
	v5 =	vand.u32 $0x1C, v5;
	v6 =	vcvt.s32.f32 v6  }
0x75: {  	v4 =	vld [tilespmem:s3+$0x18BA0];
	v5 =	vor.u32 v5, v7  }
0x76: {  	[tilespmem:s0+$0x19AA0] =	vst v6  }
0x77: {  	[tilespmem:s0+$0x195A0] =	vst v5;
	s0 =	smov.u32 s3  }
0x78: {  	_ = 	snop  }
0x79: {  	v5 =	vshra.s32 v3, $0x3  }
0x7a: {  	v3 =	vshll.u32 v3, $0x2;
	v5 =	vcvt.s32.f32 v5  }
0x7b: {  	v4 =	vshll.u32 v4, $0x5;
	v3 =	vand.u32 $0x1C, v3  }
0x7c: {  	v3 =	vor.u32 v3, v4;
	[tilespmem:s0+$0x19AA0] =	vst v5  }
0x7d: {  	s1 =	sand.u32 $0x7F0, s29;
	[tilespmem:s0+$0x195A0] =	vst v3  }
0x7e: {  	s3 =	simm.s32 $0x19FA0;
	v3 =	vld [tilespmem:s1+$0x19AA0]  }
0x7f: {  	v4 =	vld [tilespmem:s3+$0x0]  }
0x80: {  	v5 =	vld [tilespmem:s1+$0x195A0]  }
0x81: {  	s3 =	sand.u32 $0xC, s29  }
0x82: {  	v6 =	vor.u32 s3, v1  }
0x83: {  	v3 =	vperm.xlane v3, v6;
	_ =	sdelay $0x1  }
0x84: {  	v5 =	vperm.xlane v5, v6;
	v3 =	vmul.f32 v4, v3  }
0x85: {  	s30 =	simm.s32 $0x1B3A0  }
0x86: {  	s31 =	simm.s32 $0x4;
	s9 =	sand.u32 $0x1FF0, s29;
	[tilespmem:s30+$0x0] =	vst v3;
	v3 =	vadd.s32 v2, v5  }
0x87: {  	s3 =	sand.u32 $0x7F0, s31;
	[tilespmem:s9+$0x1C7A0] =	vst v3  }
0x88: {  	s0 =	simm.s32 $0x19FB0;
	s9 =	simm.s32 $0x8;
	v3 =	vld [tilespmem:s3+$0x19AA0]  }
.LBB2_10:
0x89: {  	p0 =	sne.s32 s9, $0x4FC;
	v4 =	vld [tilespmem:s0+$0x0]  }
0x8a: {  	v5 =	vld [tilespmem:s3+$0x195A0]  }
0x8b: {  	s3 =	sand.u32 $0xC, s31;
	s31 =	smov.u32 s9  }
0x8c: {  	v6 =	vor.u32 s3, v1  }
0x8d: {  	v3 =	vperm.xlane v3, v6;
	_ =	sdelay $0x1  }
.Ltmp6:
0x8e: {  	v5 =	vperm.xlane v5, v6;
	v3 =	vmul.f32 v4, v3;
	(pc) =	sbr.rel @p0 .LBB2_10-.Ltmp6, $4  }
0x8f: {  	s29 =	sadd.s32 $0x10, s29;
	s30 =	sadd.s32 $0x10, s30  }
0x90: {  	s1 =	sand.u32 $0x1FF0, s29;
	[tilespmem:s30+$0x0] =	vst v3;
	v3 =	vadd.s32 v2, v5  }
0x91: {  	s3 =	sand.u32 $0x7F0, s9;
	[tilespmem:s1+$0x1C7A0] =	vst v3  }
0x92: {  	s0 =	sadd.s32 $0x10, s0;
	s9 =	sadd.s32 $0x4, s9;
	v3 =	vld [tilespmem:s3+$0x19AA0]  }
0x93: {  	v4 =	vld [tilespmem:s0+$0x0]  }
0x94: {  	v5 =	vld [tilespmem:s3+$0x195A0]  }
0x95: {  	s9 =	sand.u32 $0xC, s31  }
0x96: {  	v6 =	vor.u32 s9, v1  }
0x97: {  	v3 =	vperm.xlane v3, v6;
	_ =	sdelay $0x1  }
0x98: {  	v5 =	vperm.xlane v5, v6;
	v3 =	vmul.f32 v4, v3  }
0x99: {  	s31 =	sadd.s32 $0x10, s29;
	s1 =	sadd.s32 $0x10, s30  }
0x9a: {  	s0 =	sand.u32 $0x1FF0, s31;
	[tilespmem:s1+$0x0] =	vst v3;
	v3 =	vadd.s32 v2, v5  }
0x9b: {  	s3 =	simm.s32 $0x1C7A0;
	[tilespmem:s0+$0x1C7A0] =	vst v3  }
0x9c: {  	[spmem:s2] =	stream.indirect.scatter.add.f32 [tilespmem:s12], [sflag:$0x2], $0x1, s3, s16, $0xb8;
	[tilespmem:$0x1DBA0] =	vst v63  }
0x9d: {  	s29 =	simm.s32 $0x1B420;
	s9 =	simm.s32 $0x1C820  }
0x9e: {  	[spmem:s2] =	stream.indirect.scatter.add.f32 [tilespmem:s29], [sflag:$0x2], $0x1, s9, s16, $0xb8;
	[tilespmem:$0x1DBA0] =	vst v63  }
0x9f: {  	s30 =	simm.s32 $0x1C8A0;
	s31 =	simm.s32 $0x1B4A0  }
0xa0: {  	[spmem:s2] =	stream.indirect.scatter.add.f32 [tilespmem:s31], [sflag:$0x2], $0x1, s30, s16, $0xb8;
	[tilespmem:$0x1DBA0] =	vst v63  }
0xa1: {  	s1 =	simm.s32 $0x1C920;
	s3 =	simm.s32 $0x1B520  }
0xa2: {  	[spmem:s2] =	stream.indirect.scatter.add.f32 [tilespmem:s3], [sflag:$0x2], $0x1, s1, s16, $0xb8;
	[tilespmem:$0x1DBA0] =	vst v63  }
0xa3: {  	s9 =	simm.s32 $0x1C9A0;
	s29 =	simm.s32 $0x1B5A0  }
0xa4: {  	[spmem:s2] =	stream.indirect.scatter.add.f32 [tilespmem:s29], [sflag:$0x2], $0x1, s9, s16, $0xb8;
	[tilespmem:$0x1DBA0] =	vst v63  }
0xa5: {  	s30 =	simm.s32 $0x1CA20;
	s31 =	simm.s32 $0x1B620  }
0xa6: {  	[spmem:s2] =	stream.indirect.scatter.add.f32 [tilespmem:s31], [sflag:$0x2], $0x1, s30, s16, $0xb8;
	[tilespmem:$0x1DBA0] =	vst v63  }
0xa7: {  	s1 =	simm.s32 $0x1CAA0;
	s3 =	simm.s32 $0x1B6A0  }
0xa8: {  	[spmem:s2] =	stream.indirect.scatter.add.f32 [tilespmem:s3], [sflag:$0x2], $0x1, s1, s16, $0xb8;
	[tilespmem:$0x1DBA0] =	vst v63  }
0xa9: {  	s9 =	simm.s32 $0x1CB20;
	s29 =	simm.s32 $0x1B720  }
0xaa: {  	[spmem:s2] =	stream.indirect.scatter.add.f32 [tilespmem:s29], [sflag:$0x2], $0x1, s9, s16, $0xb8;
	[tilespmem:$0x1DBA0] =	vst v63  }
0xab: {  	s30 =	simm.s32 $0x1CBA0;
	s31 =	simm.s32 $0x1B7A0  }
0xac: {  	[spmem:s2] =	stream.indirect.scatter.add.f32 [tilespmem:s31], [sflag:$0x2], $0x1, s30, s16, $0xb8;
	[tilespmem:$0x1DBA0] =	vst v63  }
0xad: {  	s1 =	simm.s32 $0x1CC20;
	s3 =	simm.s32 $0x1B820  }
0xae: {  	[spmem:s2] =	stream.indirect.scatter.add.f32 [tilespmem:s3], [sflag:$0x2], $0x1, s1, s16, $0xb8;
	[tilespmem:$0x1DBA0] =	vst v63  }
0xaf: {  	s9 =	simm.s32 $0x1CCA0;
	s29 =	simm.s32 $0x1B8A0  }
0xb0: {  	[spmem:s2] =	stream.indirect.scatter.add.f32 [tilespmem:s29], [sflag:$0x2], $0x1, s9, s16, $0xb8;
	[tilespmem:$0x1DBA0] =	vst v63  }
0xb1: {  	s30 =	simm.s32 $0x1CD20;
	s31 =	simm.s32 $0x1B920  }
0xb2: {  	[spmem:s2] =	stream.indirect.scatter.add.f32 [tilespmem:s31], [sflag:$0x2], $0x1, s30, s16, $0xb8;
	[tilespmem:$0x1DBA0] =	vst v63  }
0xb3: {  	s1 =	simm.s32 $0x1CDA0;
	s3 =	simm.s32 $0x1B9A0  }
0xb4: {  	[spmem:s2] =	stream.indirect.scatter.add.f32 [tilespmem:s3], [sflag:$0x2], $0x1, s1, s16, $0xb8;
	[tilespmem:$0x1DBA0] =	vst v63  }
0xb5: {  	s9 =	simm.s32 $0x1CE20;
	s29 =	simm.s32 $0x1BA20  }
0xb6: {  	[spmem:s2] =	stream.indirect.scatter.add.f32 [tilespmem:s29], [sflag:$0x2], $0x1, s9, s16, $0xb8;
	[tilespmem:$0x1DBA0] =	vst v63  }
0xb7: {  	s30 =	simm.s32 $0x1CEA0;
	s31 =	simm.s32 $0x1BAA0  }
0xb8: {  	[spmem:s2] =	stream.indirect.scatter.add.f32 [tilespmem:s31], [sflag:$0x2], $0x1, s30, s16, $0xb8;
	[tilespmem:$0x1DBA0] =	vst v63  }
0xb9: {  	s1 =	simm.s32 $0x1CF20;
	s3 =	simm.s32 $0x1BB20  }
0xba: {  	[spmem:s2] =	stream.indirect.scatter.add.f32 [tilespmem:s3], [sflag:$0x2], $0x1, s1, s16, $0xb8;
	[tilespmem:$0x1DBA0] =	vst v63  }
0xbb: {  	s9 =	simm.s32 $0x1CFA0;
	s29 =	simm.s32 $0x1BBA0  }
0xbc: {  	[spmem:s2] =	stream.indirect.scatter.add.f32 [tilespmem:s29], [sflag:$0x2], $0x1, s9, s16, $0xb8;
	[tilespmem:$0x1DBA0] =	vst v63  }
0xbd: {  	s30 =	simm.s32 $0x1D020;
	s31 =	simm.s32 $0x1BC20  }
0xbe: {  	[spmem:s2] =	stream.indirect.scatter.add.f32 [tilespmem:s31], [sflag:$0x2], $0x1, s30, s16, $0xb8;
	[tilespmem:$0x1DBA0] =	vst v63  }
0xbf: {  	s1 =	simm.s32 $0x1D0A0;
	s3 =	simm.s32 $0x1BCA0  }
0xc0: {  	[spmem:s2] =	stream.indirect.scatter.add.f32 [tilespmem:s3], [sflag:$0x2], $0x1, s1, s16, $0xb8;
	[tilespmem:$0x1DBA0] =	vst v63  }
0xc1: {  	s9 =	simm.s32 $0x1D120;
	s29 =	simm.s32 $0x1BD20  }
0xc2: {  	[spmem:s2] =	stream.indirect.scatter.add.f32 [tilespmem:s29], [sflag:$0x2], $0x1, s9, s16, $0xb8;
	[tilespmem:$0x1DBA0] =	vst v63  }
0xc3: {  	s30 =	simm.s32 $0x1D1A0;
	s31 =	simm.s32 $0x1BDA0  }
0xc4: {  	[spmem:s2] =	stream.indirect.scatter.add.f32 [tilespmem:s31], [sflag:$0x2], $0x1, s30, s16, $0xb8;
	[tilespmem:$0x1DBA0] =	vst v63  }
0xc5: {  	s1 =	simm.s32 $0x1D220;
	s3 =	simm.s32 $0x1BE20  }
0xc6: {  	[spmem:s2] =	stream.indirect.scatter.add.f32 [tilespmem:s3], [sflag:$0x2], $0x1, s1, s16, $0xb8;
	[tilespmem:$0x1DBA0] =	vst v63  }
0xc7: {  	s9 =	simm.s32 $0x1D2A0;
	s29 =	simm.s32 $0x1BEA0  }
0xc8: {  	[spmem:s2] =	stream.indirect.scatter.add.f32 [tilespmem:s29], [sflag:$0x2], $0x1, s9, s16, $0xb8;
	[tilespmem:$0x1DBA0] =	vst v63  }
0xc9: {  	s30 =	simm.s32 $0x1D320;
	s31 =	simm.s32 $0x1BF20  }
0xca: {  	[spmem:s2] =	stream.indirect.scatter.add.f32 [tilespmem:s31], [sflag:$0x2], $0x1, s30, s16, $0xb8;
	[tilespmem:$0x1DBA0] =	vst v63  }
0xcb: {  	s1 =	simm.s32 $0x1D3A0;
	s3 =	simm.s32 $0x1BFA0  }
0xcc: {  	[spmem:s2] =	stream.indirect.scatter.add.f32 [tilespmem:s3], [sflag:$0x2], $0x1, s1, s16, $0xb8;
	[tilespmem:$0x1DBA0] =	vst v63  }
0xcd: {  	s9 =	simm.s32 $0x1D420;
	s29 =	simm.s32 $0x1C020  }
0xce: {  	[spmem:s2] =	stream.indirect.scatter.add.f32 [tilespmem:s29], [sflag:$0x2], $0x1, s9, s16, $0xb8;
	[tilespmem:$0x1DBA0] =	vst v63  }
0xcf: {  	s30 =	simm.s32 $0x1D4A0;
	s31 =	simm.s32 $0x1C0A0  }
0xd0: {  	[spmem:s2] =	stream.indirect.scatter.add.f32 [tilespmem:s31], [sflag:$0x2], $0x1, s30, s16, $0xb8;
	[tilespmem:$0x1DBA0] =	vst v63  }
0xd1: {  	s1 =	simm.s32 $0x1D520;
	s3 =	simm.s32 $0x1C120  }
0xd2: {  	[spmem:s2] =	stream.indirect.scatter.add.f32 [tilespmem:s3], [sflag:$0x2], $0x1, s1, s16, $0xb8;
	[tilespmem:$0x1DBA0] =	vst v63  }
0xd3: {  	s9 =	simm.s32 $0x1D5A0;
	s29 =	simm.s32 $0x1C1A0  }
0xd4: {  	[spmem:s2] =	stream.indirect.scatter.add.f32 [tilespmem:s29], [sflag:$0x2], $0x1, s9, s16, $0xb8;
	[tilespmem:$0x1DBA0] =	vst v63  }
0xd5: {  	s30 =	simm.s32 $0x1D620;
	s31 =	simm.s32 $0x1C220  }
0xd6: {  	[spmem:s2] =	stream.indirect.scatter.add.f32 [tilespmem:s31], [sflag:$0x2], $0x1, s30, s16, $0xb8;
	[tilespmem:$0x1DBA0] =	vst v63  }
0xd7: {  	s1 =	simm.s32 $0x1D6A0;
	s3 =	simm.s32 $0x1C2A0  }
0xd8: {  	[spmem:s2] =	stream.indirect.scatter.add.f32 [tilespmem:s3], [sflag:$0x2], $0x1, s1, s16, $0xb8;
	[tilespmem:$0x1DBA0] =	vst v63  }
0xd9: {  	s9 =	simm.s32 $0x1D720;
	s29 =	simm.s32 $0x1C320  }
0xda: {  	[spmem:s2] =	stream.indirect.scatter.add.f32 [tilespmem:s29], [sflag:$0x2], $0x1, s9, s16, $0xb8;
	[tilespmem:$0x1DBA0] =	vst v63  }
0xdb: {  	s30 =	simm.s32 $0x1D7A0;
	s31 =	simm.s32 $0x1C3A0  }
0xdc: {  	[spmem:s2] =	stream.indirect.scatter.add.f32 [tilespmem:s31], [sflag:$0x2], $0x1, s30, s16, $0xb8;
	[tilespmem:$0x1DBA0] =	vst v63  }
0xdd: {  	s3 =	simm.s32 $0x1D820;
	s9 =	simm.s32 $0x1C420  }
0xde: {  	[spmem:s2] =	stream.indirect.scatter.add.f32 [tilespmem:s9], [sflag:$0x2], $0x1, s3, s16, $0xb8;
	[tilespmem:$0x1DBA0] =	vst v63  }
0xdf: {  	s29 =	simm.s32 $0x1D8A0;
	s30 =	simm.s32 $0x1C4A0  }
0xe0: {  	[spmem:s2] =	stream.indirect.scatter.add.f32 [tilespmem:s30], [sflag:$0x2], $0x1, s29, s16, $0xb8;
	[tilespmem:$0x1DBA0] =	vst v63  }
0xe1: {  	s31 =	simm.s32 $0x1D920  }
0xe2: {  	[spmem:s2] =	stream.indirect.scatter.add.f32 [tilespmem:s15], [sflag:$0x2], $0x1, s31, s16, $0xb8;
	[tilespmem:$0x1DBA0] =	vst v63  }
0xe3: {  	_ = 	snop  }
0xe4: {  	[spmem:s2] =	stream.indirect.scatter.add.f32 [tilespmem:s19], [sflag:$0x2], $0x1, s17, s16, $0xb8;
	[tilespmem:$0x1DBA0] =	vst v63  }
0xe5: {  	_ = 	snop  }
0xe6: {  	[spmem:s2] =	stream.indirect.scatter.add.f32 [tilespmem:s21], [sflag:$0x2], $0x1, s20, s16, $0xb8;
	[tilespmem:$0x1DBA0] =	vst v63  }
0xe7: {  	_ = 	snop  }
0xe8: {  	[spmem:s2] =	stream.indirect.scatter.add.f32 [tilespmem:s23], [sflag:$0x2], $0x1, s22, s16, $0xb8;
	[tilespmem:$0x1DBA0] =	vst v63  }
0xe9: {  	_ = 	snop  }
0xea: {  	[spmem:s2] =	stream.indirect.scatter.add.f32 [tilespmem:s25], [sflag:$0x2], $0x1, s24, s16, $0xb8;
	[tilespmem:$0x1DBA0] =	vst v63  }
0xeb: {  	_ =	swait.ge [sflag:s26], $0x80  }
0xec: {  	[sflag:s26] =	ssyncset.done $0x0  }
0xed: {  	[sflag:s26] =	ssyncadd.s32 $0xFFFFFF80  }
0xee: {  	_ =	swait.ge [sflag:s26], $0x80  }
0xef: {  	[sflag:s26] =	ssyncset.done $0x0  }
0xf0: {  	[sflag:s26] =	ssyncadd.s32 $0xFFFFFF80  }
0xf1: {  	_ =	swait.ge [sflag:s26], $0x80  }
0xf2: {  	[sflag:s26] =	ssyncset.done $0x0  }
0xf3: {  	[sflag:s26] =	ssyncadd.s32 $0xFFFFFF80  }
0xf4: {  	_ =	swait.ge [sflag:s26], $0x80  }
0xf5: {  	[sflag:s26] =	ssyncset.done $0x0  }
0xf6: {  	[sflag:s26] =	ssyncadd.s32 $0xFFFFFF80  }
0xf7: {  	_ =	swait.ge [sflag:s26], $0x80  }
0xf8: {  	[sflag:s26] =	ssyncset.done $0x0  }
0xf9: {  	[sflag:s26] =	ssyncadd.s32 $0xFFFFFF80  }
0xfa: {  	_ =	swait.ge [sflag:s26], $0x80  }
0xfb: {  	[sflag:s26] =	ssyncset.done $0x0  }
0xfc: {  	[sflag:s26] =	ssyncadd.s32 $0xFFFFFF80  }
0xfd: {  	_ =	swait.ge [sflag:s26], $0x80  }
0xfe: {  	[sflag:s26] =	ssyncset.done $0x0  }
0xff: {  	[sflag:s26] =	ssyncadd.s32 $0xFFFFFF80  }
0x100: {  	_ =	swait.ge [sflag:s26], $0x80  }
0x101: {  	[sflag:s26] =	ssyncset.done $0x0  }
0x102: {  	[sflag:s26] =	ssyncadd.s32 $0xFFFFFF80  }
0x103: {  	_ =	swait.ge [sflag:s26], $0x80  }
0x104: {  	[sflag:s26] =	ssyncset.done $0x0  }
0x105: {  	[sflag:s26] =	ssyncadd.s32 $0xFFFFFF80  }
0x106: {  	_ =	swait.ge [sflag:s26], $0x80  }
0x107: {  	[sflag:s26] =	ssyncset.done $0x0  }
0x108: {  	[sflag:s26] =	ssyncadd.s32 $0xFFFFFF80  }
0x109: {  	_ =	swait.ge [sflag:s26], $0x80  }
0x10a: {  	[sflag:s26] =	ssyncset.done $0x0  }
0x10b: {  	[sflag:s26] =	ssyncadd.s32 $0xFFFFFF80  }
0x10c: {  	_ =	swait.ge [sflag:s26], $0x80  }
0x10d: {  	[sflag:s26] =	ssyncset.done $0x0  }
0x10e: {  	[sflag:s26] =	ssyncadd.s32 $0xFFFFFF80  }
0x10f: {  	_ =	swait.ge [sflag:s26], $0x80  }
0x110: {  	[sflag:s26] =	ssyncset.done $0x0  }
0x111: {  	[sflag:s26] =	ssyncadd.s32 $0xFFFFFF80  }
0x112: {  	_ =	swait.ge [sflag:s26], $0x80  }
0x113: {  	[sflag:s26] =	ssyncset.done $0x0  }
0x114: {  	[sflag:s26] =	ssyncadd.s32 $0xFFFFFF80  }
0x115: {  	_ =	swait.ge [sflag:s26], $0x80  }
0x116: {  	[sflag:s26] =	ssyncset.done $0x0  }
0x117: {  	[sflag:s26] =	ssyncadd.s32 $0xFFFFFF80  }
0x118: {  	_ =	swait.ge [sflag:s26], $0x80  }
0x119: {  	[sflag:s26] =	ssyncset.done $0x0  }
0x11a: {  	[sflag:s26] =	ssyncadd.s32 $0xFFFFFF80  }
0x11b: {  	_ =	swait.ge [sflag:s26], $0x80  }
0x11c: {  	[sflag:s26] =	ssyncset.done $0x0  }
0x11d: {  	[sflag:s26] =	ssyncadd.s32 $0xFFFFFF80  }
0x11e: {  	_ =	swait.ge [sflag:s26], $0x80  }
0x11f: {  	[sflag:s26] =	ssyncset.done $0x0  }
0x120: {  	[sflag:s26] =	ssyncadd.s32 $0xFFFFFF80  }
0x121: {  	_ =	swait.ge [sflag:s26], $0x80  }
0x122: {  	[sflag:s26] =	ssyncset.done $0x0  }
0x123: {  	[sflag:s26] =	ssyncadd.s32 $0xFFFFFF80  }
0x124: {  	_ =	swait.ge [sflag:s26], $0x80  }
0x125: {  	[sflag:s26] =	ssyncset.done $0x0  }
0x126: {  	[sflag:s26] =	ssyncadd.s32 $0xFFFFFF80  }
0x127: {  	_ =	swait.ge [sflag:s26], $0x80  }
0x128: {  	[sflag:s26] =	ssyncset.done $0x0  }
0x129: {  	[sflag:s26] =	ssyncadd.s32 $0xFFFFFF80  }
0x12a: {  	_ =	swait.ge [sflag:s26], $0x80  }
0x12b: {  	[sflag:s26] =	ssyncset.done $0x0  }
0x12c: {  	[sflag:s26] =	ssyncadd.s32 $0xFFFFFF80  }
0x12d: {  	_ =	swait.ge [sflag:s26], $0x80  }
0x12e: {  	[sflag:s26] =	ssyncset.done $0x0  }
0x12f: {  	[sflag:s26] =	ssyncadd.s32 $0xFFFFFF80  }
0x130: {  	_ =	swait.ge [sflag:s26], $0x80  }
0x131: {  	[sflag:s26] =	ssyncset.done $0x0  }
0x132: {  	[sflag:s26] =	ssyncadd.s32 $0xFFFFFF80  }
0x133: {  	_ =	swait.ge [sflag:s26], $0x80  }
0x134: {  	[sflag:s26] =	ssyncset.done $0x0  }
0x135: {  	[sflag:s26] =	ssyncadd.s32 $0xFFFFFF80  }
0x136: {  	_ =	swait.ge [sflag:s26], $0x80  }
0x137: {  	[sflag:s26] =	ssyncset.done $0x0  }
0x138: {  	[sflag:s26] =	ssyncadd.s32 $0xFFFFFF80  }
0x139: {  	_ =	swait.ge [sflag:s26], $0x80  }
0x13a: {  	[sflag:s26] =	ssyncset.done $0x0  }
0x13b: {  	[sflag:s26] =	ssyncadd.s32 $0xFFFFFF80  }
0x13c: {  	_ =	swait.ge [sflag:s26], $0x80  }
0x13d: {  	[sflag:s26] =	ssyncset.done $0x0  }
0x13e: {  	[sflag:s26] =	ssyncadd.s32 $0xFFFFFF80  }
0x13f: {  	_ =	swait.ge [sflag:s26], $0x80  }
0x140: {  	[sflag:s26] =	ssyncset.done $0x0  }
0x141: {  	[sflag:s26] =	ssyncadd.s32 $0xFFFFFF80  }
0x142: {  	_ =	swait.ge [sflag:s26], $0x80  }
0x143: {  	[sflag:s26] =	ssyncset.done $0x0  }
0x144: {  	[sflag:s26] =	ssyncadd.s32 $0xFFFFFF80  }
0x145: {  	_ =	swait.ge [sflag:s26], $0x80  }
0x146: {  	[sflag:s26] =	ssyncset.done $0x0  }
0x147: {  	[sflag:s26] =	ssyncadd.s32 $0xFFFFFF80  }
0x148: {  	_ =	swait.ge [sflag:s26], $0x80  }
0x149: {  	[sflag:s26] =	ssyncset.done $0x0  }
0x14a: {  	[sflag:s26] =	ssyncadd.s32 $0xFFFFFF80  }
0x14b: {  	_ =	swait.ge [sflag:s26], $0x80  }
0x14c: {  	[sflag:s26] =	ssyncset.done $0x0  }
0x14d: {  	[sflag:s26] =	ssyncadd.s32 $0xFFFFFF80  }
0x14e: {  	_ =	swait.ge [sflag:s26], $0x80  }
0x14f: {  	[sflag:s26] =	ssyncset.done $0x0  }
0x150: {  	[sflag:s26] =	ssyncadd.s32 $0xFFFFFF80  }
0x151: {  	_ =	swait.ge [sflag:s26], $0x80  }
0x152: {  	[sflag:s26] =	ssyncset.done $0x0  }
0x153: {  	[sflag:s26] =	ssyncadd.s32 $0xFFFFFF80  }
0x154: {  	_ =	swait.ge [sflag:s26], $0x80  }
0x155: {  	[sflag:s26] =	ssyncset.done $0x0  }
0x156: {  	[sflag:s26] =	ssyncadd.s32 $0xFFFFFF80  }
0x157: {  	_ =	swait.ge [sflag:s26], $0x80  }
0x158: {  	[sflag:s26] =	ssyncset.done $0x0  }
0x159: {  	[sflag:s26] =	ssyncadd.s32 $0xFFFFFF80  }
0x15a: {  	_ =	swait.ge [sflag:s26], $0x80  }
0x15b: {  	[sflag:s26] =	ssyncset.done $0x0  }
0x15c: {  	[sflag:s26] =	ssyncadd.s32 $0xFFFFFF80  }
0x15d: {  	_ =	swait.ge [sflag:s26], $0x80  }
.Ltmp7:
0x15e: {  	[sflag:s26] =	ssyncset.done $0x0;
	(pc) =	sbr.rel .LBB2_12-.Ltmp7, $4  }
0x15f: {  	[sflag:s26] =	ssyncadd.s32 $0xFFFFFF80  }
0x160: {  	_ =	swait.ge [sflag:s26], $0x80  }
0x161: {  	[sflag:s26] =	ssyncset.done $0x0  }
0x162: {  	[sflag:s26] =	ssyncadd.s32 $0xFFFFFF80  }
.LBB2_13:
0x163: {  	[bflag:$0x0] =	sbarrier.arrive $0xFFFF;
	s0 =	sshll.u32 s4, $0x6  }
0x164: {  	s1 =	sadd.s32 $0x0, s11;
	s3 =	sshrl.u32 s10, $0x3;
	s0 =	sor.u32 $0x1C03, s0  }
0x165: {  	[hbm:s1], [sflag:s0] =	dma.local [spmem:s3], $0x1F4  }
0x166: {  	s9 =	simm.s32 $0x1F40;
	s3 =	sadd.s32 $0xFA00, s10;
	_ =	swait.ge [sflag:s13], $0x1F4  }
.LBB2_14:
0x167: {  	s1 =	sadd.s32 s9, s11;
	[sflag:s13] =	ssyncset.done $0x0;
	p0 =	sne.s32 s9, $0x2EE00  }
.Ltmp8:
0x168: {  	s28 =	sshrl.u32 s3, $0x3;
	[sflag:s13] =	ssyncadd.s32 $0xFFFFFE0C;
	(pc) =	sbr.rel @p0 .LBB2_14-.Ltmp8, $3  }
0x169: {  	[hbm:s1], [sflag:s0] =	dma.local [spmem:s28], $0x1F4  }
0x16a: {  	s9 =	sadd.s32 $0x1F40, s9;
	_ =	sdelay $0x1  }
0x16b: {  	s3 =	sadd.s32 $0xFA00, s3;
	_ =	swait.ge [sflag:s13], $0x1F4  }
0x16c: {  	s28 =	rddreg [dreg:$0x4]  }
0x16d: {  	s0 =	rddreg [dreg:$0x5];
	s28 =	sadd.s32 $0x1, s28  }
0x16e: {  	p0 =	sne.s32 s28, s0  }
.Ltmp9:
0x16f: {  	_ = 	snop;
	(pc) =	sbr.rel @p0 .LBB2_1-.Ltmp9, $3  }
0x170: {  	_ =	sdelay $0x1  }
0x171: {  	[sflag:s13] =	ssyncset.done $0x0  }
0x172: {  	[sflag:s13] =	ssyncadd.s32 $0xFFFFFE0C  }
0x173: {  	_ =	sfence.sel $0x180000  }
0x174: {  	[bflag:$0x0] =	sbarrier.arrive $0xFFFF  }
0x175: {  	_ =	strace $0x90000047  }
0x176: {  	[bflag:$0x2] =	sbarrier.arrive $0xFFFF  }
0x177: {  	p0 =	sne.s32 s4, $0x0;
	s0 =	rddreg [dreg:$0x3]  }
0x178: {  	s0 =	sadd.s32 @!p0 $0x100000, s0  }
0x179: {  	[sflag:s0] =	ssyncadd.tile.s32 @!p0 $0x1;
	_ =	shalt  }
.Lfunc_end2:
_tile_overlayer_lowered:
.L_overlay_start_2:
0x17a: {  	(tag) =	ssettag $0x2  }
0x17b: {  	s0 =	rddreg [dreg:$0x0];
	s2 =	stileid.u32  }
0x17c: {  	s1 =	rddreg [dreg:$0x1];
	p0 =	sne.s32 s2, $0x0  }
0x17d: {  	s3 =	rddreg [dreg:$0x2];
	[bflag:$0x3] =	sbarrier.arrive $0xFFFF;
	s2 =	simm.s32 @!p0 $0x1C03  }
0x17e: {  	[timem:s3], [sflag:s2] =	dma.local @!p0 [hbm:s0], s1  }
0x17f: {  	s0 =	simm.s32 @!p0 $0x3  }
0x180: {  	_ =	swait.ge @!p0 [sflag:s0], s1  }
0x181: {  	s1 =	ssub.s32 @!p0 $0x0, s1;
	[sflag:s0] =	ssyncset.done @!p0 $0x0  }
0x182: {  	[sflag:s0] =	ssyncadd.s32 @!p0 s1  }
0x183: {  	[bflag:$0x3] =	sbarrier.arrive $0xFFFF  }
0x184: {  	_ =	shalt  }

</sc_bundles>
